<compile_context>
chip_gen: v7x
topology: tpu7x:2x2x1
jax: 0.10.2.dev20260603
libtpu: 0.0.44.dev20260713+nightly
codegen_flags: <defaults>
</compile_context>

<pallas_src>
import numpy as np

import jax
import jax.numpy as jnp
from jax import lax
from jax.experimental import pallas as pl
from jax.experimental.pallas import tpu as pltpu
from jax.experimental.pallas import tpu_sc as plsc

B = 2048
D = 1024
T = 8
DFF = 1024
NF = 6
VR = 16
NOPS = 2

TB = 512
NTB = B // TB
BLK = 256
NPAD = B + T * BLK
NB = NPAD // BLK
NW = 32
CHUNK = B // NW


def _gelu(x):
    return 0.5 * x * (1.0 + lax.erf(x * np.float32(1.0 / np.sqrt(2.0))))


def _layernorm(x, g, b):
    m = jnp.mean(x, axis=-1, keepdims=True)
    d = x - m
    v = jnp.mean(d * d, axis=-1, keepdims=True)
    return d / jnp.sqrt(v + 1e-5) * g + b



def _frontend_body(op_ref, a_ref, b_ref, emb_ref, win_ref, bin_ref,
                   lng_ref, lnb_ref, rw_ref, rb_ref,
                   x_ref, tidx_ref, gate_ref, dst_ref, eid_ref, valid_ref,
                   xsidx_ref, aux_ref, run_cnt, acc_psum, tidx_s, rank_s,
                   run_cnt_c):
    i = pl.program_id(0)

    @pl.when(i == 0)
    def _():
        run_cnt[...] = jnp.zeros((1, T), jnp.float32)
        acc_psum[...] = jnp.zeros((1, T), jnp.float32)

    opv = op_ref[0, 0, :]
    av = a_ref[0, 0, :]
    bv = b_ref[0, 0, :]

    bf16 = jnp.bfloat16
    f32 = jnp.float32

    vi = lax.broadcasted_iota(jnp.int32, (16, 16), 0).astype(f32)
    ci = lax.broadcasted_iota(jnp.int32, (16, 16), 1)
    kka = jnp.where(ci < 6, ci, ci - 6)
    freq_a = jnp.left_shift(1, kka).astype(f32)
    ang_a = vi * (2.0 * np.pi / VR) * freq_a
    ftab_a = jnp.where(ci < 6, jnp.sin(ang_a),
                       jnp.where(ci < 12, jnp.cos(ang_a), 0.0)).astype(bf16)
    kkb = jnp.where(ci < 10, ci - 4, ci - 10)
    freq_b = jnp.left_shift(1, jnp.maximum(kkb, 0)).astype(f32)
    ang_b = vi * (2.0 * np.pi / VR) * freq_b
    ftab_b = jnp.where(ci < 4, 0.0,
                       jnp.where(ci < 10, jnp.sin(ang_b),
                                 jnp.cos(ang_b))).astype(bf16)

    lane16 = lax.broadcasted_iota(jnp.int32, (TB, 16), 1)
    oh_op = (lax.broadcasted_iota(jnp.int32, (TB, NOPS), 1)
             == opv[:, None]).astype(bf16)
    oh_a = (lane16 == av[:, None]).astype(bf16)
    oh_b = (lane16 == bv[:, None]).astype(bf16)
    feat_op = jnp.dot(oh_op, emb_ref[...].astype(bf16),
                      preferred_element_type=f32)
    fa = jnp.dot(oh_a, ftab_a, preferred_element_type=f32)
    fb = jnp.dot(oh_b, ftab_b, preferred_element_type=f32)

    x0 = (jnp.dot(feat_op.astype(bf16),
                  win_ref[pl.ds(0, D // 4), :].astype(bf16),
                  preferred_element_type=f32)
          + jnp.dot(fa.astype(bf16),
                    win_ref[pl.ds(D // 4, 16), :].astype(bf16),
                    preferred_element_type=f32)
          + jnp.dot(fb.astype(bf16),
                    win_ref[pl.ds(D // 4 + 8, 16), :].astype(bf16),
                    preferred_element_type=f32)
          + bin_ref[...])
    x = _layernorm(x0, lng_ref[...], lnb_ref[...])
    x_ref[...] = x

    lane = lax.broadcasted_iota(jnp.int32, (TB, T), 1)
    rl = jnp.dot(x.astype(bf16), rw_ref[...].astype(bf16),
                 preferred_element_type=f32) + rb_ref[...]
    mx = jnp.max(rl, axis=1, keepdims=True)
    ex = jnp.exp(rl - mx)
    probs = ex / jnp.sum(ex, axis=1, keepdims=True)
    gate = jnp.max(probs, axis=1)
    ismax = probs == gate[:, None]
    tidx = jnp.min(jnp.where(ismax, lane, T), axis=1)
    gate_ref[0, 0, :] = gate
    tidx_s[pl.ds(i, 1), :] = tidx[None, :]

    oh_e = (lane == tidx[:, None]).astype(bf16)
    tri = (lax.broadcasted_iota(jnp.int32, (TB, TB), 0)
           > lax.broadcasted_iota(jnp.int32, (TB, TB), 1)).astype(bf16)
    cum_excl = jnp.dot(tri, oh_e, preferred_element_type=jnp.float32)
    oh_f = oh_e.astype(jnp.float32)
    rank = jnp.sum((cum_excl + run_cnt[...]) * oh_f, axis=1)
    rank_s[pl.ds(i, 1), :] = rank[None, :]

    run_cnt[...] = run_cnt[...] + jnp.sum(oh_f, axis=0, keepdims=True)
    acc_psum[...] = acc_psum[...] + jnp.sum(probs, axis=0, keepdims=True)

    oh_eT = (lax.broadcasted_iota(jnp.int32, (T, TB), 0)
             == tidx[None, :]).astype(bf16)
    run_cnt_c[...] = (jnp.where(i == 0, 0.0, run_cnt_c[...])
                      + jnp.dot(oh_eT, jnp.ones((TB, 1), bf16),
                                preferred_element_type=f32))

    @pl.when(i == NTB - 1)
    def _():
        tidx_ref[...] = tidx_s[...]
        cnt_c = run_cnt_c[...]
        nblk_c = jnp.floor((cnt_c + (BLK - 1)) * (1.0 / BLK))
        ltri_c = (lax.broadcasted_iota(jnp.int32, (T, T), 1)
                  <= lax.broadcasted_iota(jnp.int32, (T, T), 0)
                  ).astype(jnp.float32)
        incl_c = jnp.dot(ltri_c, nblk_c, preferred_element_type=jnp.float32)
        padf_c = (incl_c - nblk_c) * BLK
        jrow = lax.broadcasted_iota(jnp.int32, (T, NB), 1).astype(jnp.float32)
        cmp = (jrow >= incl_c).astype(jnp.float32)
        eid_ref[...] = jnp.minimum(
            jnp.sum(cmp, axis=0, keepdims=True), T - 1).astype(jnp.int32)
        valid_ref[...] = (1.0 - cmp[T - 1:T, :]).astype(jnp.int32)
        used = jnp.sum(nblk_c, axis=0, keepdims=True)
        lanenb = lax.broadcasted_iota(jnp.int32, (1, NB), 1).astype(f32)
        xsidx_ref[...] = jnp.minimum(lanenb, used - 1.0).astype(jnp.int32)

        acc = rank_s[...]
        tmat = tidx_s[...]
        selrow = lax.broadcasted_iota(jnp.int32, (1, T), 1)
        for e in range(T):
            sel = (selrow == e).astype(f32)
            pe = jnp.dot(sel, padf_c, preferred_element_type=f32)
            acc = acc + jnp.where(tmat == e, pe, 0.0)
        dst_ref[...] = acc.astype(jnp.int32)

        aux_ref[...] = (T / (B * B)) * jnp.sum(
            run_cnt[...] * acc_psum[...], axis=1, keepdims=True)


def _frontend(op3, a3, b3, emb, win, bin2, lnig2, lnib2, rw, rb2):
    f32 = jnp.float32
    return pl.pallas_call(
        _frontend_body,
        grid=(NTB,),
        in_specs=[
            pl.BlockSpec((1, 1, TB), lambda i: (i, 0, 0)),
            pl.BlockSpec((1, 1, TB), lambda i: (i, 0, 0)),
            pl.BlockSpec((1, 1, TB), lambda i: (i, 0, 0)),
            pl.BlockSpec((NOPS, D // 4), lambda i: (0, 0)),
            pl.BlockSpec((D // 4 + 4 * NF, D), lambda i: (0, 0)),
            pl.BlockSpec((1, D), lambda i: (0, 0)),
            pl.BlockSpec((1, D), lambda i: (0, 0)),
            pl.BlockSpec((1, D), lambda i: (0, 0)),
            pl.BlockSpec((D, T), lambda i: (0, 0)),
            pl.BlockSpec((1, T), lambda i: (0, 0)),
        ],
        out_specs=[
            pl.BlockSpec((TB, D), lambda i: (i, 0)),
            pl.BlockSpec((NTB, TB), lambda i: (0, 0)),
            pl.BlockSpec((1, 1, TB), lambda i: (i, 0, 0)),
            pl.BlockSpec((NTB, TB), lambda i: (0, 0)),
            pl.BlockSpec((1, NB), lambda i: (0, 0)),
            pl.BlockSpec((1, NB), lambda i: (0, 0)),
            pl.BlockSpec((1, NB), lambda i: (0, 0)),
            pl.BlockSpec((1, 1), lambda i: (0, 0)),
        ],
        out_shape=[
            jax.ShapeDtypeStruct((B, D), f32),
            jax.ShapeDtypeStruct((NTB, TB), jnp.int32),
            jax.ShapeDtypeStruct((NTB, 1, TB), f32),
            jax.ShapeDtypeStruct((NTB, TB), jnp.int32),
            jax.ShapeDtypeStruct((1, NB), jnp.int32),
            jax.ShapeDtypeStruct((1, NB), jnp.int32),
            jax.ShapeDtypeStruct((1, NB), jnp.int32),
            jax.ShapeDtypeStruct((1, 1), f32),
        ],
        scratch_shapes=[
            pltpu.VMEM((1, T), f32),
            pltpu.VMEM((1, T), f32),
            pltpu.VMEM((NTB, TB), jnp.int32),
            pltpu.VMEM((NTB, TB), f32),
            pltpu.VMEM((T, 1), f32),
        ],
    )(op3, a3, b3, emb, win, bin2, lnig2, lnib2, rw, rb2)



def _dispatch_body(x_hbm, dst_hbm, xs_hbm, dst_v, xv, sem):
    wid = lax.axis_index("s") * 2 + lax.axis_index("c")
    base = wid * CHUNK
    pltpu.sync_copy(dst_hbm.at[pl.ds(base, CHUNK)], dst_v)
    pltpu.sync_copy(x_hbm.at[pl.ds(base, CHUNK), :], xv)
    pltpu.async_copy(xv, xs_hbm.at[dst_v], sem).wait()


def _dispatch(x, dst):
    return pl.kernel(
        _dispatch_body,
        out_type=jax.ShapeDtypeStruct((NPAD, D), jnp.float32),
        mesh=plsc.VectorSubcoreMesh(core_axis_name="c", subcore_axis_name="s", num_cores=2, num_subcores=16),
        scratch_types=[
            pltpu.VMEM((CHUNK,), jnp.int32),
            pltpu.VMEM((CHUNK, D), jnp.float32),
            pltpu.SemaphoreType.DMA,
        ],
    )(x, dst)



def _ffn_body(eid_ref, valid_ref, xsidx_ref, xs_ref, w1_ref, b1_ref, w2_ref,
              b2_ref, ys_ref):
    j = pl.program_id(0)

    @pl.when(valid_ref[j] == 1)
    def _():
        x = xs_ref[...]
        h = jnp.dot(x, w1_ref[0], preferred_element_type=jnp.float32) + b1_ref[0]
        h = _gelu(h)
        y = jnp.dot(h, w2_ref[0], preferred_element_type=jnp.float32) + b2_ref[0]
        ys_ref[...] = y


def _ffn(eid, valid, xsidx, xs, W1, b1, W2, b2):
    grid_spec = pltpu.PrefetchScalarGridSpec(
        num_scalar_prefetch=3,
        grid=(NB,),
        in_specs=[
            pl.BlockSpec((BLK, D), lambda j, e, v, s: (s[j], 0)),
            pl.BlockSpec((1, D, DFF), lambda j, e, v, s: (e[j], 0, 0)),
            pl.BlockSpec((1, 1, DFF), lambda j, e, v, s: (e[j], 0, 0)),
            pl.BlockSpec((1, DFF, D), lambda j, e, v, s: (e[j], 0, 0)),
            pl.BlockSpec((1, 1, D), lambda j, e, v, s: (e[j], 0, 0)),
        ],
        out_specs=pl.BlockSpec((BLK, D), lambda j, e, v, s: (s[j], 0)),
    )
    return pl.pallas_call(
        _ffn_body,
        grid_spec=grid_spec,
        out_shape=jax.ShapeDtypeStruct((NPAD, D), jnp.float32),
    )(eid, valid, xsidx, xs, W1, b1.reshape(T, 1, DFF), W2,
      b2.reshape(T, 1, D))



def _combine_body(ys_hbm, dst_hbm, y_hbm, dst_v, yv, sem):
    wid = lax.axis_index("s") * 2 + lax.axis_index("c")
    base = wid * CHUNK
    pltpu.sync_copy(dst_hbm.at[pl.ds(base, CHUNK)], dst_v)
    pltpu.async_copy(ys_hbm.at[dst_v], yv, sem).wait()
    pltpu.sync_copy(yv, y_hbm.at[pl.ds(base, CHUNK), :])


def _combine(ys, dst):
    return pl.kernel(
        _combine_body,
        out_type=jax.ShapeDtypeStruct((B, D), jnp.float32),
        mesh=plsc.VectorSubcoreMesh(core_axis_name="c", subcore_axis_name="s", num_cores=2, num_subcores=16),
        scratch_types=[
            pltpu.VMEM((CHUNK,), jnp.int32),
            pltpu.VMEM((CHUNK, D), jnp.float32),
            pltpu.SemaphoreType.DMA,
        ],
    )(ys, dst)



def _tail_body(x_ref, y_ref, gate_ref, lng_ref, lnb_ref, wh1_ref, bh1_ref,
               wh2_ref, bh2_ref, logits_ref):
    g = gate_ref[0, 0, :][:, None]
    z = _layernorm(x_ref[...] + y_ref[...] * g, lng_ref[...], lnb_ref[...])
    h = _gelu(jnp.dot(z, wh1_ref[...], preferred_element_type=jnp.float32)
              + bh1_ref[...])
    logits_ref[...] = jnp.dot(h, wh2_ref[...],
                              preferred_element_type=jnp.float32) + bh2_ref[...]


def _tail(x, y, gate3, lng2, lnb2, Wh1, bh1_2, Wh2, bh2_2):
    f32 = jnp.float32
    return pl.pallas_call(
        _tail_body,
        grid=(NTB,),
        in_specs=[
            pl.BlockSpec((TB, D), lambda i: (i, 0)),
            pl.BlockSpec((TB, D), lambda i: (i, 0)),
            pl.BlockSpec((1, 1, TB), lambda i: (i, 0, 0)),
            pl.BlockSpec((1, D), lambda i: (0, 0)),
            pl.BlockSpec((1, D), lambda i: (0, 0)),
            pl.BlockSpec((D, D // 2), lambda i: (0, 0)),
            pl.BlockSpec((1, D // 2), lambda i: (0, 0)),
            pl.BlockSpec((D // 2, 6), lambda i: (0, 0)),
            pl.BlockSpec((1, 6), lambda i: (0, 0)),
        ],
        out_specs=pl.BlockSpec((TB, 6), lambda i: (i, 0)),
        out_shape=jax.ShapeDtypeStruct((B, 6), f32),
    )(x, y, gate3, lng2, lnb2, Wh1, bh1_2, Wh2, bh2_2)



def kernel(op, a, b, op_embed, W_in, b_in, ln_in_g, ln_in_b, router_W,
           router_b, W1, b1, W2, b2, ln_g, ln_b, Wh1, bh1, Wh2, bh2):
    i32 = jnp.int32
    op3 = op.astype(i32).reshape(NTB, 1, TB)
    a3 = a.astype(i32).reshape(NTB, 1, TB)
    b3 = b.astype(i32).reshape(NTB, 1, TB)

    (x, tidx2, gate3, dst2, eid2, valid2, xsidx2, aux) = _frontend(
        op3, a3, b3, op_embed, W_in, b_in.reshape(1, D),
        ln_in_g.reshape(1, D), ln_in_b.reshape(1, D), router_W,
        router_b.reshape(1, T))

    tidx = tidx2.reshape(B)
    dst = dst2.reshape(B)

    xs = _dispatch(x, dst)
    ys = _ffn(eid2.reshape(NB), valid2.reshape(NB), xsidx2.reshape(NB),
              xs, W1, b1, W2, b2)
    y = _combine(ys, dst)

    logits3 = _tail(
        x, y, gate3, ln_g.reshape(1, D), ln_b.reshape(1, D), Wh1,
        bh1.reshape(1, D // 2), Wh2, bh2.reshape(1, 6))

    return logits3, tidx, aux[0, 0]

# --- scband reference (transcript-rebuilt; emitter-appended) ---
"""Pipeline reference for scband-pure-tri-xmicro-ops-63806034149895 (READ-ONLY COPY).

The authoritative reference and input builder live on the scoring server;
editing this copy changes nothing except your own understanding.
"""

import jax, jax.numpy as jnp
import numpy as np

B = 2048
D = 1024
T = 8
DFF = 1024
NF = 6
VR = 16
NOPS = 2


def _ln(x, g, b):
    m = jnp.mean(x, axis=-1, keepdims=True)
    v = jnp.var(x, axis=-1, keepdims=True)
    return (x - m) / jnp.sqrt(v + 1e-5) * g + b


def _fourier(x):
    xn = x.astype(jnp.float32)[:, None] * (2.0 * np.pi / VR)
    freqs = (2.0 ** jnp.arange(NF, dtype=jnp.float32))[None, :]
    ang = xn * freqs
    return jnp.concatenate([jnp.sin(ang), jnp.cos(ang)], axis=-1)


def setup_inputs(seed: int = 0):
    key = jax.random.key(seed)
    ks = jax.random.split(key, 20)
    s = 0.02
    inp = {}
    inp['op'] = jax.random.randint(ks[0], (B,), 0, NOPS)
    inp['a'] = jax.random.randint(ks[1], (B,), 0, VR)
    inp['b'] = jax.random.randint(ks[2], (B,), 0, VR)
    in_dim = D // 4 + 4 * NF
    inp['op_embed'] = jax.random.normal(ks[3], (NOPS, D // 4), jnp.float32)
    inp['W_in'] = jax.random.normal(ks[4], (in_dim, D), jnp.float32) * s
    inp['b_in'] = jnp.zeros((D,), jnp.float32)
    inp['ln_in_g'] = jnp.ones((D,), jnp.float32)
    inp['ln_in_b'] = jnp.zeros((D,), jnp.float32)
    inp['router_W'] = jax.random.normal(ks[5], (D, T), jnp.float32) * s
    inp['router_b'] = jnp.zeros((T,), jnp.float32)
    inp['W1'] = jax.random.normal(ks[6], (T, D, DFF), jnp.float32) * s
    inp['b1'] = jnp.zeros((T, DFF), jnp.float32)
    inp['W2'] = jax.random.normal(ks[7], (T, DFF, D), jnp.float32) * s
    inp['b2'] = jnp.zeros((T, D), jnp.float32)
    inp['ln_g'] = jnp.ones((D,), jnp.float32)
    inp['ln_b'] = jnp.zeros((D,), jnp.float32)
    inp['Wh1'] = jax.random.normal(ks[8], (D, D // 2), jnp.float32) * s
    inp['bh1'] = jnp.zeros((D // 2,), jnp.float32)
    inp['Wh2'] = jax.random.normal(ks[9], (D // 2, 6), jnp.float32) * s
    inp['bh2'] = jnp.zeros((6,), jnp.float32)
    return inp


def reference(op, a, b, op_embed, W_in, b_in, ln_in_g, ln_in_b, router_W, router_b, W1, b1, W2, b2, ln_g, ln_b, Wh1, bh1, Wh2, bh2):
    # op embedding lookup (gather)
    op_emb = jnp.take(op_embed, op, axis=0)
    fa = _fourier(a)
    fb = _fourier(b)
    x = jnp.concatenate([op_emb, fa, fb], axis=-1)
    x = _ln(x @ W_in + b_in, ln_in_g, ln_in_b)
    # SparseLookupFFNv2: top-1 tile routing MoE FFN
    rl = x @ router_W + router_b
    probs = jax.nn.softmax(rl, axis=-1)
    tile_idx = jnp.argmax(probs, axis=-1)
    gate = jnp.max(probs, axis=-1)
    onehot = jax.nn.one_hot(tile_idx, T, dtype=x.dtype)
    H = jnp.einsum('bd,edf->ebf', x, W1) + b1[:, None, :]
    H = jax.nn.gelu(H, approximate=False)
    Y = jnp.einsum('ebf,efd->ebd', H, W2) + b2[:, None, :]
    expert_out = jnp.einsum('ebd,be->bd', Y, onehot) * gate[:, None]
    # load-balancing aux loss
    f = jnp.mean(onehot, axis=0)
    P = jnp.mean(probs, axis=0)
    total_aux = T * jnp.sum(f * P)
    x = _ln(x + expert_out, ln_g, ln_b)
    # output head
    h = jax.nn.gelu(x @ Wh1 + bh1, approximate=False)
    logits = h @ Wh2 + bh2
    return (logits, tile_idx, total_aux)

if __name__ == "__main__":
    import jax
    _d = setup_inputs()
    print(jax.jit(kernel)(*tuple(_d.values())))

</pallas_src>

<mosaic_0001>
#map = affine_map<(d0, d1) -> (0, 0)>
#map1 = affine_map<(d0, d1) -> (0)>
module attributes {stable_mosaic.version = 14 : i64} {
  func.func @_combine_body(%arg0: i32, %arg1: i32, %arg2: memref<4096x1024xf32, #tpu.memory_space<hbm>>, %arg3: memref<2048xi32, #tpu.memory_space<hbm>>, %arg4: memref<2048x1024xf32, #tpu.memory_space<hbm>>, %arg5: memref<64xi32, #tpu.memory_space<vmem>>, %arg6: memref<64x1024xf32, #tpu.memory_space<vmem>>, %arg7: memref<!tpu.dma_semaphore, #tpu.memory_space<semaphore_mem>>) attributes {dimension_semantics = [#tpu.dimension_semantics<core_parallel>, #tpu.dimension_semantics<subcore_parallel>], iteration_bounds = array<i64: 2, 16>, scalar_prefetch = 0 : i64, scratch_operands = 3 : i64, tpu.core_type = #tpu.core_type<sc_vector_subcore>, window_params = [{transform_indices = #map}, {transform_indices = #map1}, {transform_indices = #map}]} {
    %mul3A = arith.constant 2 : i32
    %mul3A_0 = arith.muli %arg1, %mul3A : i32
    %add3A = arith.addi %mul3A_0, %arg0 : i32
    %mul3A_1 = arith.constant 64 : i32
    %mul3A_2 = arith.muli %add3A, %mul3A_1 : i32
    "tpu.region"() ({
      %run_scoped3A = tpu.sem_alloc : memref<!tpu.dma_semaphore, #tpu.memory_space<semaphore_mem>>
      %dma_start3A_7 = tpu.memref_slice %arg3[%mul3A_2] : memref<2048xi32, #tpu.memory_space<hbm>> -> memref<64xi32, #tpu.memory_space<hbm>>
      %dma_start3A_8 = tpu.memref_slice %arg3[%mul3A_2] : memref<2048xi32, #tpu.memory_space<hbm>> -> memref<64xi32, #tpu.memory_space<hbm>>
      tpu.enqueue_dma source(%dma_start3A_8 : memref<64xi32, #tpu.memory_space<hbm>>) target(%arg5 : memref<64xi32, #tpu.memory_space<vmem>>) target_semaphore(%run_scoped3A : memref<!tpu.dma_semaphore, #tpu.memory_space<semaphore_mem>>)
      %dma_wait3A_9 = tpu.memref_slice %arg3[%mul3A_2] : memref<2048xi32, #tpu.memory_space<hbm>> -> memref<64xi32, #tpu.memory_space<hbm>>
      %dma_wait3A_10 = tpu.memref_slice %arg3[%mul3A_2] : memref<2048xi32, #tpu.memory_space<hbm>> -> memref<64xi32, #tpu.memory_space<hbm>>
      tpu.wait_dma2 semaphore(%run_scoped3A : memref<!tpu.dma_semaphore, #tpu.memory_space<semaphore_mem>>) src(%dma_wait3A_10 : memref<64xi32, #tpu.memory_space<hbm>>) dst(%arg5 : memref<64xi32, #tpu.memory_space<vmem>>)
      tpu.yield
    }) : () -> ()
    %dma_start3A = arith.constant 0 : i32
    %dma_start3A_3 = arith.constant 0 : i32
    %dma_start3A_4 = tpu.memref_slice %arg2[%dma_start3A, %dma_start3A_3] : memref<4096x1024xf32, #tpu.memory_space<hbm>> -> memref<4096x1024xf32, #tpu.memory_space<hbm>>
    tpu.enqueue_indirect_dma source(%dma_start3A_4 : memref<4096x1024xf32, #tpu.memory_space<hbm>>) target(%arg6 : memref<64x1024xf32, #tpu.memory_space<vmem>>) offsets(%arg5 : memref<64xi32, #tpu.memory_space<vmem>>) semaphore(%arg7 : memref<!tpu.dma_semaphore, #tpu.memory_space<semaphore_mem>>)
    %dma_wait3A = arith.constant 0 : i32
    %dma_wait3A_5 = arith.constant 0 : i32
    %dma_wait3A_6 = tpu.memref_slice %arg2[%dma_wait3A, %dma_wait3A_5] : memref<4096x1024xf32, #tpu.memory_space<hbm>> -> memref<4096x1024xf32, #tpu.memory_space<hbm>>
    tpu.wait_indirect_dma semaphore(%arg7 : memref<!tpu.dma_semaphore, #tpu.memory_space<semaphore_mem>>) src(%dma_wait3A_6 : memref<4096x1024xf32, #tpu.memory_space<hbm>>) dst(%arg6 : memref<64x1024xf32, #tpu.memory_space<vmem>>)
    "tpu.region"() ({
      %run_scoped3A = tpu.sem_alloc : memref<!tpu.dma_semaphore, #tpu.memory_space<semaphore_mem>>
      %dma_start3A_7 = arith.constant 0 : i32
      %dma_start3A_8 = tpu.memref_slice %arg4[%mul3A_2, %dma_start3A_7] : memref<2048x1024xf32, #tpu.memory_space<hbm>> -> memref<64x1024xf32, #tpu.memory_space<hbm>>
      %dma_start3A_9 = arith.constant 0 : i32
      %dma_start3A_10 = tpu.memref_slice %arg4[%mul3A_2, %dma_start3A_9] : memref<2048x1024xf32, #tpu.memory_space<hbm>> -> memref<64x1024xf32, #tpu.memory_space<hbm>>
      tpu.enqueue_dma source(%arg6 : memref<64x1024xf32, #tpu.memory_space<vmem>>) target(%dma_start3A_10 : memref<64x1024xf32, #tpu.memory_space<hbm>>) target_semaphore(%run_scoped3A : memref<!tpu.dma_semaphore, #tpu.memory_space<semaphore_mem>>)
      %dma_wait3A_11 = arith.constant 0 : i32
      %dma_wait3A_12 = tpu.memref_slice %arg4[%mul3A_2, %dma_wait3A_11] : memref<2048x1024xf32, #tpu.memory_space<hbm>> -> memref<64x1024xf32, #tpu.memory_space<hbm>>
      %dma_wait3A_13 = arith.constant 0 : i32
      %dma_wait3A_14 = tpu.memref_slice %arg4[%mul3A_2, %dma_wait3A_13] : memref<2048x1024xf32, #tpu.memory_space<hbm>> -> memref<64x1024xf32, #tpu.memory_space<hbm>>
      tpu.wait_dma2 semaphore(%run_scoped3A : memref<!tpu.dma_semaphore, #tpu.memory_space<semaphore_mem>>) src(%arg6 : memref<64x1024xf32, #tpu.memory_space<vmem>>) dst(%dma_wait3A_14 : memref<64x1024xf32, #tpu.memory_space<hbm>>)
      tpu.yield
    }) : () -> ()
    return
  }
}

#map = affine_map<(d0, d1) -> (0, 0)>
#map1 = affine_map<(d0, d1) -> (0)>
module attributes {stable_mosaic.version = 14 : i64} {
  func.func @_dispatch_body(%arg0: i32, %arg1: i32, %arg2: memref<2048x1024xf32, #tpu.memory_space<hbm>>, %arg3: memref<2048xi32, #tpu.memory_space<hbm>>, %arg4: memref<4096x1024xf32, #tpu.memory_space<hbm>>, %arg5: memref<64xi32, #tpu.memory_space<vmem>>, %arg6: memref<64x1024xf32, #tpu.memory_space<vmem>>, %arg7: memref<!tpu.dma_semaphore, #tpu.memory_space<semaphore_mem>>) attributes {dimension_semantics = [#tpu.dimension_semantics<core_parallel>, #tpu.dimension_semantics<subcore_parallel>], iteration_bounds = array<i64: 2, 16>, scalar_prefetch = 0 : i64, scratch_operands = 3 : i64, tpu.core_type = #tpu.core_type<sc_vector_subcore>, window_params = [{transform_indices = #map}, {transform_indices = #map1}, {transform_indices = #map}]} {
    %mul3A = arith.constant 2 : i32
    %mul3A_0 = arith.muli %arg1, %mul3A : i32
    %add3A = arith.addi %mul3A_0, %arg0 : i32
    %mul3A_1 = arith.constant 64 : i32
    %mul3A_2 = arith.muli %add3A, %mul3A_1 : i32
    "tpu.region"() ({
      %run_scoped3A = tpu.sem_alloc : memref<!tpu.dma_semaphore, #tpu.memory_space<semaphore_mem>>
      %dma_start3A_7 = tpu.memref_slice %arg3[%mul3A_2] : memref<2048xi32, #tpu.memory_space<hbm>> -> memref<64xi32, #tpu.memory_space<hbm>>
      %dma_start3A_8 = tpu.memref_slice %arg3[%mul3A_2] : memref<2048xi32, #tpu.memory_space<hbm>> -> memref<64xi32, #tpu.memory_space<hbm>>
      tpu.enqueue_dma source(%dma_start3A_8 : memref<64xi32, #tpu.memory_space<hbm>>) target(%arg5 : memref<64xi32, #tpu.memory_space<vmem>>) target_semaphore(%run_scoped3A : memref<!tpu.dma_semaphore, #tpu.memory_space<semaphore_mem>>)
      %dma_wait3A_9 = tpu.memref_slice %arg3[%mul3A_2] : memref<2048xi32, #tpu.memory_space<hbm>> -> memref<64xi32, #tpu.memory_space<hbm>>
      %dma_wait3A_10 = tpu.memref_slice %arg3[%mul3A_2] : memref<2048xi32, #tpu.memory_space<hbm>> -> memref<64xi32, #tpu.memory_space<hbm>>
      tpu.wait_dma2 semaphore(%run_scoped3A : memref<!tpu.dma_semaphore, #tpu.memory_space<semaphore_mem>>) src(%dma_wait3A_10 : memref<64xi32, #tpu.memory_space<hbm>>) dst(%arg5 : memref<64xi32, #tpu.memory_space<vmem>>)
      tpu.yield
    }) : () -> ()
    "tpu.region"() ({
      %run_scoped3A = tpu.sem_alloc : memref<!tpu.dma_semaphore, #tpu.memory_space<semaphore_mem>>
      %dma_start3A_7 = arith.constant 0 : i32
      %dma_start3A_8 = tpu.memref_slice %arg2[%mul3A_2, %dma_start3A_7] : memref<2048x1024xf32, #tpu.memory_space<hbm>> -> memref<64x1024xf32, #tpu.memory_space<hbm>>
      %dma_start3A_9 = arith.constant 0 : i32
      %dma_start3A_10 = tpu.memref_slice %arg2[%mul3A_2, %dma_start3A_9] : memref<2048x1024xf32, #tpu.memory_space<hbm>> -> memref<64x1024xf32, #tpu.memory_space<hbm>>
      tpu.enqueue_dma source(%dma_start3A_10 : memref<64x1024xf32, #tpu.memory_space<hbm>>) target(%arg6 : memref<64x1024xf32, #tpu.memory_space<vmem>>) target_semaphore(%run_scoped3A : memref<!tpu.dma_semaphore, #tpu.memory_space<semaphore_mem>>)
      %dma_wait3A_11 = arith.constant 0 : i32
      %dma_wait3A_12 = tpu.memref_slice %arg2[%mul3A_2, %dma_wait3A_11] : memref<2048x1024xf32, #tpu.memory_space<hbm>> -> memref<64x1024xf32, #tpu.memory_space<hbm>>
      %dma_wait3A_13 = arith.constant 0 : i32
      %dma_wait3A_14 = tpu.memref_slice %arg2[%mul3A_2, %dma_wait3A_13] : memref<2048x1024xf32, #tpu.memory_space<hbm>> -> memref<64x1024xf32, #tpu.memory_space<hbm>>
      tpu.wait_dma2 semaphore(%run_scoped3A : memref<!tpu.dma_semaphore, #tpu.memory_space<semaphore_mem>>) src(%dma_wait3A_14 : memref<64x1024xf32, #tpu.memory_space<hbm>>) dst(%arg6 : memref<64x1024xf32, #tpu.memory_space<vmem>>)
      tpu.yield
    }) : () -> ()
    %dma_start3A = arith.constant 0 : i32
    %dma_start3A_3 = arith.constant 0 : i32
    %dma_start3A_4 = tpu.memref_slice %arg4[%dma_start3A, %dma_start3A_3] : memref<4096x1024xf32, #tpu.memory_space<hbm>> -> memref<4096x1024xf32, #tpu.memory_space<hbm>>
    tpu.enqueue_indirect_dma source(%arg6 : memref<64x1024xf32, #tpu.memory_space<vmem>>) target(%dma_start3A_4 : memref<4096x1024xf32, #tpu.memory_space<hbm>>) offsets(%arg5 : memref<64xi32, #tpu.memory_space<vmem>>) semaphore(%arg7 : memref<!tpu.dma_semaphore, #tpu.memory_space<semaphore_mem>>)
    %dma_wait3A = arith.constant 0 : i32
    %dma_wait3A_5 = arith.constant 0 : i32
    %dma_wait3A_6 = tpu.memref_slice %arg4[%dma_wait3A, %dma_wait3A_5] : memref<4096x1024xf32, #tpu.memory_space<hbm>> -> memref<4096x1024xf32, #tpu.memory_space<hbm>>
    tpu.wait_indirect_dma semaphore(%arg7 : memref<!tpu.dma_semaphore, #tpu.memory_space<semaphore_mem>>) src(%arg6 : memref<64x1024xf32, #tpu.memory_space<vmem>>) dst(%dma_wait3A_6 : memref<4096x1024xf32, #tpu.memory_space<hbm>>)
    return
  }
}

module attributes {stable_mosaic.version = 14 : i64} {
  func.func @_ffn_body(%arg0: i32, %arg1: memref<16xi32, #tpu.memory_space<smem>>, %arg2: memref<16xi32, #tpu.memory_space<smem>>, %arg3: memref<16xi32, #tpu.memory_space<smem>>, %arg4: memref<256x1024xf32, #tpu.memory_space<vmem>>, %arg5: memref<1x1024x1024xf32, #tpu.memory_space<vmem>>, %arg6: memref<1x1x1024xf32, #tpu.memory_space<vmem>>, %arg7: memref<1x1024x1024xf32, #tpu.memory_space<vmem>>, %arg8: memref<1x1x1024xf32, #tpu.memory_space<vmem>>, %arg9: memref<256x1024xf32, #tpu.memory_space<vmem>>) attributes {dimension_semantics = [#tpu.dimension_semantics<arbitrary>], iteration_bounds = array<i64: 16>, scalar_prefetch = 3 : i64, scratch_operands = 0 : i64, tpu.core_type = #tpu.core_type<tc>, window_params = [{transform_indices = @transform_0, window_bounds = array<i64: 256, 1024>}, {transform_indices = @transform_1, window_bounds = array<i64: 1, 1024, 1024>}, {transform_indices = @transform_2, window_bounds = array<i64: 1, 1, 1024>}, {transform_indices = @transform_3, window_bounds = array<i64: 1, 1024, 1024>}, {transform_indices = @transform_4, window_bounds = array<i64: 1, 1, 1024>}, {transform_indices = @transform_5, window_bounds = array<i64: 256, 1024>}]} {
    %get3A = arith.index_cast %arg0 : i32 to index
    %get3A_0 = memref.load %arg2[%get3A] : memref<16xi32, #tpu.memory_space<smem>>
    %eq3A = arith.constant 1 : i32
    %eq3A_1 = arith.cmpi eq, %get3A_0, %eq3A : i32
    %convert_element_type3A = arith.extui %eq3A_1 : i1 to i32
    %cond3A = arith.constant 0 : i32
    %cond3A_2 = arith.cmpi ne, %convert_element_type3A, %cond3A : i32
    scf.if %cond3A_2 {
      %get3A_3 = arith.constant 0 : index
      %get3A_4 = arith.constant 0 : index
      %get3A_5 = vector.load %arg4[%get3A_3, %get3A_4] : memref<256x1024xf32, #tpu.memory_space<vmem>>, vector<256x1024xf32>
      %get3A_6 = arith.constant 0 : index
      %get3A_7 = arith.constant 0 : index
      %get3A_8 = arith.constant 0 : index
      %get3A_9 = vector.load %arg5[%get3A_6, %get3A_7, %get3A_8] : memref<1x1024x1024xf32, #tpu.memory_space<vmem>>, vector<1x1024x1024xf32>
      %get3A_10 = vector.shape_cast %get3A_9 : vector<1x1024x1024xf32> to vector<1024x1024xf32>
      %dot_general3A = arith.constant dense<0.000000e+00> : vector<256x1024xf32>
      %dot_general3A_11 = tpu.matmul %get3A_5, %get3A_10, %dot_general3A {dimension_numbers = #tpu.dot_dimension_numbers<[1], [0], [0], [1], [0, 0, 1, 1], [], []>, transpose_lhs_hint = false} : vector<256x1024xf32>, vector<1024x1024xf32>, vector<256x1024xf32> -> vector<256x1024xf32>
      %get3A_12 = arith.constant 0 : index
      %get3A_13 = arith.constant 0 : index
      %get3A_14 = arith.constant 0 : index
      %get3A_15 = vector.load %arg6[%get3A_12, %get3A_13, %get3A_14] : memref<1x1x1024xf32, #tpu.memory_space<vmem>>, vector<1x1x1024xf32>
      %get3A_16 = vector.shape_cast %get3A_15 : vector<1x1x1024xf32> to vector<1x1024xf32>
      %add3A = vector.broadcast %get3A_16 : vector<1x1024xf32> to vector<256x1024xf32>
      %add3A_17 = arith.addf %dot_general3A_11, %add3A : vector<256x1024xf32>
      %mul3A = arith.constant 5.000000e-01 : f32
      %mul3A_18 = vector.broadcast %mul3A : f32 to vector<256x1024xf32>
      %mul3A_19 = arith.mulf %mul3A_18, %add3A_17 : vector<256x1024xf32>
      %mul3A_20 = arith.constant 0.707106769 : f32
      %mul3A_21 = vector.broadcast %mul3A_20 : f32 to vector<256x1024xf32>
      %mul3A_22 = arith.mulf %add3A_17, %mul3A_21 : vector<256x1024xf32>
      %erf3A = math.erf %mul3A_22 : vector<256x1024xf32>
      %add3A_23 = arith.constant 1.000000e+00 : f32
      %add3A_24 = vector.broadcast %add3A_23 : f32 to vector<256x1024xf32>
      %add3A_25 = arith.addf %add3A_24, %erf3A : vector<256x1024xf32>
      %mul3A_26 = arith.mulf %mul3A_19, %add3A_25 : vector<256x1024xf32>
      %get3A_27 = arith.constant 0 : index
      %get3A_28 = arith.constant 0 : index
      %get3A_29 = arith.constant 0 : index
      %get3A_30 = vector.load %arg7[%get3A_27, %get3A_28, %get3A_29] : memref<1x1024x1024xf32, #tpu.memory_space<vmem>>, vector<1x1024x1024xf32>
      %get3A_31 = vector.shape_cast %get3A_30 : vector<1x1024x1024xf32> to vector<1024x1024xf32>
      %dot_general3A_32 = arith.constant dense<0.000000e+00> : vector<256x1024xf32>
      %dot_general3A_33 = tpu.matmul %mul3A_26, %get3A_31, %dot_general3A_32 {dimension_numbers = #tpu.dot_dimension_numbers<[1], [0], [0], [1], [0, 0, 1, 1], [], []>, transpose_lhs_hint = false} : vector<256x1024xf32>, vector<1024x1024xf32>, vector<256x1024xf32> -> vector<256x1024xf32>
      %get3A_34 = arith.constant 0 : index
      %get3A_35 = arith.constant 0 : index
      %get3A_36 = arith.constant 0 : index
      %get3A_37 = vector.load %arg8[%get3A_34, %get3A_35, %get3A_36] : memref<1x1x1024xf32, #tpu.memory_space<vmem>>, vector<1x1x1024xf32>
      %get3A_38 = vector.shape_cast %get3A_37 : vector<1x1x1024xf32> to vector<1x1024xf32>
      %add3A_39 = vector.broadcast %get3A_38 : vector<1x1024xf32> to vector<256x1024xf32>
      %add3A_40 = arith.addf %dot_general3A_33, %add3A_39 : vector<256x1024xf32>
      %swap3A = arith.constant 0 : index
      %swap3A_41 = arith.constant 0 : index
      %swap3A_42 = vector.load %arg9[%swap3A, %swap3A_41] : memref<256x1024xf32, #tpu.memory_space<vmem>>, vector<256x1024xf32>
      tpu.vector_store %arg9[%swap3A, %swap3A_41], %add3A_40 {strides = array<i32>} : memref<256x1024xf32, #tpu.memory_space<vmem>>, vector<256x1024xf32>,
    } else {
    }
    return
  }
  func.func @transform_0(%arg0: i32, %arg1: memref<16xi32, #tpu.memory_space<smem>>, %arg2: memref<16xi32, #tpu.memory_space<smem>>, %arg3: memref<16xi32, #tpu.memory_space<smem>>) -> (i32, i32) {
    %get3A = arith.index_cast %arg0 : i32 to index
    %get3A_0 = memref.load %arg3[%get3A] : memref<16xi32, #tpu.memory_space<smem>>
    %c0_i32 = arith.constant 0 : i32
    %c0_i32_1 = arith.constant 0 : i32
    return %get3A_0, %c0_i32 : i32, i32
  }
  func.func @transform_1(%arg0: i32, %arg1: memref<16xi32, #tpu.memory_space<smem>>, %arg2: memref<16xi32, #tpu.memory_space<smem>>, %arg3: memref<16xi32, #tpu.memory_space<smem>>) -> (i32, i32, i32) {
    %get3A = arith.index_cast %arg0 : i32 to index
    %get3A_0 = memref.load %arg1[%get3A] : memref<16xi32, #tpu.memory_space<smem>>
    %c0_i32 = arith.constant 0 : i32
    %c0_i32_1 = arith.constant 0 : i32
    %c0_i32_2 = arith.constant 0 : i32
    return %get3A_0, %c0_i32, %c0_i32_1 : i32, i32, i32
  }
  func.func @transform_2(%arg0: i32, %arg1: memref<16xi32, #tpu.memory_space<smem>>, %arg2: memref<16xi32, #tpu.memory_space<smem>>, %arg3: memref<16xi32, #tpu.memory_space<smem>>) -> (i32, i32, i32) {
    %get3A = arith.index_cast %arg0 : i32 to index
    %get3A_0 = memref.load %arg1[%get3A] : memref<16xi32, #tpu.memory_space<smem>>
    %c0_i32 = arith.constant 0 : i32
    %c0_i32_1 = arith.constant 0 : i32
    %c0_i32_2 = arith.constant 0 : i32
    return %get3A_0, %c0_i32, %c0_i32_1 : i32, i32, i32
  }
  func.func @transform_3(%arg0: i32, %arg1: memref<16xi32, #tpu.memory_space<smem>>, %arg2: memref<16xi32, #tpu.memory_space<smem>>, %arg3: memref<16xi32, #tpu.memory_space<smem>>) -> (i32, i32, i32) {
    %get3A = arith.index_cast %arg0 : i32 to index
    %get3A_0 = memref.load %arg1[%get3A] : memref<16xi32, #tpu.memory_space<smem>>
    %c0_i32 = arith.constant 0 : i32
    %c0_i32_1 = arith.constant 0 : i32
    %c0_i32_2 = arith.constant 0 : i32
    return %get3A_0, %c0_i32, %c0_i32_1 : i32, i32, i32
  }
  func.func @transform_4(%arg0: i32, %arg1: memref<16xi32, #tpu.memory_space<smem>>, %arg2: memref<16xi32, #tpu.memory_space<smem>>, %arg3: memref<16xi32, #tpu.memory_space<smem>>) -> (i32, i32, i32) {
    %get3A = arith.index_cast %arg0 : i32 to index
    %get3A_0 = memref.load %arg1[%get3A] : memref<16xi32, #tpu.memory_space<smem>>
    %c0_i32 = arith.constant 0 : i32
    %c0_i32_1 = arith.constant 0 : i32
    %c0_i32_2 = arith.constant 0 : i32
    return %get3A_0, %c0_i32, %c0_i32_1 : i32, i32, i32
  }
  func.func @transform_5(%arg0: i32, %arg1: memref<16xi32, #tpu.memory_space<smem>>, %arg2: memref<16xi32, #tpu.memory_space<smem>>, %arg3: memref<16xi32, #tpu.memory_space<smem>>) -> (i32, i32) {
    %get3A = arith.index_cast %arg0 : i32 to index
    %get3A_0 = memref.load %arg3[%get3A] : memref<16xi32, #tpu.memory_space<smem>>
    %c0_i32 = arith.constant 0 : i32
    %c0_i32_1 = arith.constant 0 : i32
    return %get3A_0, %c0_i32 : i32, i32
  }
}

module attributes {stable_mosaic.version = 14 : i64} {
  func.func @_tail_body(%arg0: i32, %arg1: memref<512x1024xf32, #tpu.memory_space<vmem>>, %arg2: memref<512x1024xf32, #tpu.memory_space<vmem>>, %arg3: memref<1x1x512xf32, #tpu.memory_space<vmem>>, %arg4: memref<1x1024xf32, #tpu.memory_space<vmem>>, %arg5: memref<1x1024xf32, #tpu.memory_space<vmem>>, %arg6: memref<1024x512xf32, #tpu.memory_space<vmem>>, %arg7: memref<1x512xf32, #tpu.memory_space<vmem>>, %arg8: memref<512x6xf32, #tpu.memory_space<vmem>>, %arg9: memref<1x6xf32, #tpu.memory_space<vmem>>, %arg10: memref<512x6xf32, #tpu.memory_space<vmem>>) attributes {dimension_semantics = [#tpu.dimension_semantics<arbitrary>], iteration_bounds = array<i64: 4>, scalar_prefetch = 0 : i64, scratch_operands = 0 : i64, tpu.core_type = #tpu.core_type<tc>, window_params = [{transform_indices = @transform_0, window_bounds = array<i64: 512, 1024>}, {transform_indices = @transform_1, window_bounds = array<i64: 512, 1024>}, {transform_indices = @transform_2, window_bounds = array<i64: 1, 1, 512>}, {pipeline_mode = #tpu.pipeline_mode<synchronous>, transform_indices = @transform_3, window_bounds = array<i64: 1, 1024>}, {pipeline_mode = #tpu.pipeline_mode<synchronous>, transform_indices = @transform_4, window_bounds = array<i64: 1, 1024>}, {pipeline_mode = #tpu.pipeline_mode<synchronous>, transform_indices = @transform_5, window_bounds = array<i64: 1024, 512>}, {pipeline_mode = #tpu.pipeline_mode<synchronous>, transform_indices = @transform_6, window_bounds = array<i64: 1, 512>}, {pipeline_mode = #tpu.pipeline_mode<synchronous>, transform_indices = @transform_7, window_bounds = array<i64: 512, 6>}, {pipeline_mode = #tpu.pipeline_mode<synchronous>, transform_indices = @transform_8, window_bounds = array<i64: 1, 6>}, {transform_indices = @transform_9, window_bounds = array<i64: 512, 6>}]} {
    %get3A = arith.constant 0 : index
    %get3A_0 = arith.constant 0 : index
    %get3A_1 = arith.constant 0 : index
    %get3A_2 = vector.load %arg3[%get3A, %get3A_0, %get3A_1] : memref<1x1x512xf32, #tpu.memory_space<vmem>>, vector<1x1x512xf32>
    %get3A_3 = vector.shape_cast %get3A_2 : vector<1x1x512xf32> to vector<512xf32>
    %broadcast_in_dim3A = vector.shape_cast %get3A_3 : vector<512xf32> to vector<512x1xf32>
    %get3A_4 = arith.constant 0 : index
    %get3A_5 = arith.constant 0 : index
    %get3A_6 = vector.load %arg1[%get3A_4, %get3A_5] : memref<512x1024xf32, #tpu.memory_space<vmem>>, vector<512x1024xf32>
    %get3A_7 = arith.constant 0 : index
    %get3A_8 = arith.constant 0 : index
    %get3A_9 = vector.load %arg2[%get3A_7, %get3A_8] : memref<512x1024xf32, #tpu.memory_space<vmem>>, vector<512x1024xf32>
    %mul3A = vector.broadcast %broadcast_in_dim3A : vector<512x1xf32> to vector<512x1024xf32>
    %mul3A_10 = arith.mulf %get3A_9, %mul3A : vector<512x1024xf32>
    %add3A = arith.addf %get3A_6, %mul3A_10 : vector<512x1024xf32>
    %get3A_11 = arith.constant 0 : index
    %get3A_12 = arith.constant 0 : index
    %get3A_13 = vector.load %arg4[%get3A_11, %get3A_12] : memref<1x1024xf32, #tpu.memory_space<vmem>>, vector<1x1024xf32>
    %get3A_14 = arith.constant 0 : index
    %get3A_15 = arith.constant 0 : index
    %get3A_16 = vector.load %arg5[%get3A_14, %get3A_15] : memref<1x1024xf32, #tpu.memory_space<vmem>>, vector<1x1024xf32>
    %reduce_sum3A = arith.constant dense<0.000000e+00> : vector<512xf32>
    %reduce_sum3A_17 = vector.multi_reduction <add>, %add3A, %reduce_sum3A [1] : vector<512x1024xf32> to vector<512xf32>
    %broadcast_in_dim3A_18 = vector.shape_cast %reduce_sum3A_17 : vector<512xf32> to vector<512x1xf32>
    %div3A = arith.constant 1.024000e+03 : f32
    %div3A_19 = vector.broadcast %div3A : f32 to vector<512x1xf32>
    %div3A_20 = arith.divf %broadcast_in_dim3A_18, %div3A_19 : vector<512x1xf32>
    %sub3A = vector.broadcast %div3A_20 : vector<512x1xf32> to vector<512x1024xf32>
    %sub3A_21 = arith.subf %add3A, %sub3A : vector<512x1024xf32>
    %mul3A_22 = arith.mulf %sub3A_21, %sub3A_21 : vector<512x1024xf32>
    %reduce_sum3A_23 = arith.constant dense<0.000000e+00> : vector<512xf32>
    %reduce_sum3A_24 = vector.multi_reduction <add>, %mul3A_22, %reduce_sum3A_23 [1] : vector<512x1024xf32> to vector<512xf32>
    %broadcast_in_dim3A_25 = vector.shape_cast %reduce_sum3A_24 : vector<512xf32> to vector<512x1xf32>
    %div3A_26 = arith.constant 1.024000e+03 : f32
    %div3A_27 = vector.broadcast %div3A_26 : f32 to vector<512x1xf32>
    %div3A_28 = arith.divf %broadcast_in_dim3A_25, %div3A_27 : vector<512x1xf32>
    %add3A_29 = arith.constant 9.99999974E-6 : f32
    %add3A_30 = vector.broadcast %add3A_29 : f32 to vector<512x1xf32>
    %add3A_31 = arith.addf %div3A_28, %add3A_30 : vector<512x1xf32>
    %sqrt3A = math.sqrt %add3A_31 : vector<512x1xf32>
    %div3A_32 = vector.broadcast %sqrt3A : vector<512x1xf32> to vector<512x1024xf32>
    %div3A_33 = arith.divf %sub3A_21, %div3A_32 : vector<512x1024xf32>
    %mul3A_34 = vector.broadcast %get3A_13 : vector<1x1024xf32> to vector<512x1024xf32>
    %mul3A_35 = arith.mulf %div3A_33, %mul3A_34 : vector<512x1024xf32>
    %add3A_36 = vector.broadcast %get3A_16 : vector<1x1024xf32> to vector<512x1024xf32>
    %add3A_37 = arith.addf %mul3A_35, %add3A_36 : vector<512x1024xf32>
    %get3A_38 = arith.constant 0 : index
    %get3A_39 = arith.constant 0 : index
    %get3A_40 = vector.load %arg6[%get3A_38, %get3A_39] : memref<1024x512xf32, #tpu.memory_space<vmem>>, vector<1024x512xf32>
    %dot_general3A = arith.constant dense<0.000000e+00> : vector<512x512xf32>
    %dot_general3A_41 = tpu.matmul %add3A_37, %get3A_40, %dot_general3A {dimension_numbers = #tpu.dot_dimension_numbers<[1], [0], [0], [1], [0, 0, 1, 1], [], []>, transpose_lhs_hint = false} : vector<512x1024xf32>, vector<1024x512xf32>, vector<512x512xf32> -> vector<512x512xf32>
    %get3A_42 = arith.constant 0 : index
    %get3A_43 = arith.constant 0 : index
    %get3A_44 = vector.load %arg7[%get3A_42, %get3A_43] : memref<1x512xf32, #tpu.memory_space<vmem>>, vector<1x512xf32>
    %add3A_45 = vector.broadcast %get3A_44 : vector<1x512xf32> to vector<512x512xf32>
    %add3A_46 = arith.addf %dot_general3A_41, %add3A_45 : vector<512x512xf32>
    %mul3A_47 = arith.constant 5.000000e-01 : f32
    %mul3A_48 = vector.broadcast %mul3A_47 : f32 to vector<512x512xf32>
    %mul3A_49 = arith.mulf %mul3A_48, %add3A_46 : vector<512x512xf32>
    %mul3A_50 = arith.constant 0.707106769 : f32
    %mul3A_51 = vector.broadcast %mul3A_50 : f32 to vector<512x512xf32>
    %mul3A_52 = arith.mulf %add3A_46, %mul3A_51 : vector<512x512xf32>
    %erf3A = math.erf %mul3A_52 : vector<512x512xf32>
    %add3A_53 = arith.constant 1.000000e+00 : f32
    %add3A_54 = vector.broadcast %add3A_53 : f32 to vector<512x512xf32>
    %add3A_55 = arith.addf %add3A_54, %erf3A : vector<512x512xf32>
    %mul3A_56 = arith.mulf %mul3A_49, %add3A_55 : vector<512x512xf32>
    %get3A_57 = arith.constant 0 : index
    %get3A_58 = arith.constant 0 : index
    %get3A_59 = vector.load %arg8[%get3A_57, %get3A_58] : memref<512x6xf32, #tpu.memory_space<vmem>>, vector<512x6xf32>
    %dot_general3A_60 = arith.constant dense<0.000000e+00> : vector<512x6xf32>
    %dot_general3A_61 = tpu.matmul %mul3A_56, %get3A_59, %dot_general3A_60 {dimension_numbers = #tpu.dot_dimension_numbers<[1], [0], [0], [1], [0, 0, 1, 1], [], []>, transpose_lhs_hint = false} : vector<512x512xf32>, vector<512x6xf32>, vector<512x6xf32> -> vector<512x6xf32>
    %get3A_62 = arith.constant 0 : index
    %get3A_63 = arith.constant 0 : index
    %get3A_64 = vector.load %arg9[%get3A_62, %get3A_63] : memref<1x6xf32, #tpu.memory_space<vmem>>, vector<1x6xf32>
    %add3A_65 = vector.broadcast %get3A_64 : vector<1x6xf32> to vector<512x6xf32>
    %add3A_66 = arith.addf %dot_general3A_61, %add3A_65 : vector<512x6xf32>
    %swap3A = arith.constant 0 : index
    %swap3A_67 = arith.constant 0 : index
    %swap3A_68 = vector.load %arg10[%swap3A, %swap3A_67] : memref<512x6xf32, #tpu.memory_space<vmem>>, vector<512x6xf32>
    tpu.vector_store %arg10[%swap3A, %swap3A_67], %add3A_66 {strides = array<i32>} : memref<512x6xf32, #tpu.memory_space<vmem>>, vector<512x6xf32>,
    return
  }
  func.func @transform_0(%arg0: i32) -> (i32, i32) {
    %c0_i32 = arith.constant 0 : i32
    %c0_i32_0 = arith.constant 0 : i32
    return %arg0, %c0_i32 : i32, i32
  }
  func.func @transform_1(%arg0: i32) -> (i32, i32) {
    %c0_i32 = arith.constant 0 : i32
    %c0_i32_0 = arith.constant 0 : i32
    return %arg0, %c0_i32 : i32, i32
  }
  func.func @transform_2(%arg0: i32) -> (i32, i32, i32) {
    %c0_i32 = arith.constant 0 : i32
    %c0_i32_0 = arith.constant 0 : i32
    %c0_i32_1 = arith.constant 0 : i32
    return %arg0, %c0_i32, %c0_i32_0 : i32, i32, i32
  }
  func.func @transform_3(%arg0: i32) -> (i32, i32) {
    %c0_i32 = arith.constant 0 : i32
    %c0_i32_0 = arith.constant 0 : i32
    %c0_i32_1 = arith.constant 0 : i32
    return %c0_i32, %c0_i32_0 : i32, i32
  }
  func.func @transform_4(%arg0: i32) -> (i32, i32) {
    %c0_i32 = arith.constant 0 : i32
    %c0_i32_0 = arith.constant 0 : i32
    %c0_i32_1 = arith.constant 0 : i32
    return %c0_i32, %c0_i32_0 : i32, i32
  }
  func.func @transform_5(%arg0: i32) -> (i32, i32) {
    %c0_i32 = arith.constant 0 : i32
    %c0_i32_0 = arith.constant 0 : i32
    %c0_i32_1 = arith.constant 0 : i32
    return %c0_i32, %c0_i32_0 : i32, i32
  }
  func.func @transform_6(%arg0: i32) -> (i32, i32) {
    %c0_i32 = arith.constant 0 : i32
    %c0_i32_0 = arith.constant 0 : i32
    %c0_i32_1 = arith.constant 0 : i32
    return %c0_i32, %c0_i32_0 : i32, i32
  }
  func.func @transform_7(%arg0: i32) -> (i32, i32) {
    %c0_i32 = arith.constant 0 : i32
    %c0_i32_0 = arith.constant 0 : i32
    %c0_i32_1 = arith.constant 0 : i32
    return %c0_i32, %c0_i32_0 : i32, i32
  }
  func.func @transform_8(%arg0: i32) -> (i32, i32) {
    %c0_i32 = arith.constant 0 : i32
    %c0_i32_0 = arith.constant 0 : i32
    %c0_i32_1 = arith.constant 0 : i32
    return %c0_i32, %c0_i32_0 : i32, i32
  }
  func.func @transform_9(%arg0: i32) -> (i32, i32) {
    %c0_i32 = arith.constant 0 : i32
    %c0_i32_0 = arith.constant 0 : i32
    return %arg0, %c0_i32 : i32, i32
  }
}

module attributes {stable_mosaic.version = 14 : i64} {
  func.func @_frontend_body(%arg0: i32, %arg1: memref<1x1x512xi32, #tpu.memory_space<vmem>>, %arg2: memref<1x1x512xi32, #tpu.memory_space<vmem>>, %arg3: memref<1x1x512xi32, #tpu.memory_space<vmem>>, %arg4: memref<2x256xf32, #tpu.memory_space<vmem>>, %arg5: memref<280x1024xf32, #tpu.memory_space<vmem>>, %arg6: memref<1x1024xf32, #tpu.memory_space<vmem>>, %arg7: memref<1x1024xf32, #tpu.memory_space<vmem>>, %arg8: memref<1x1024xf32, #tpu.memory_space<vmem>>, %arg9: memref<1024x8xf32, #tpu.memory_space<vmem>>, %arg10: memref<1x8xf32, #tpu.memory_space<vmem>>, %arg11: memref<512x1024xf32, #tpu.memory_space<vmem>>, %arg12: memref<4x512xi32, #tpu.memory_space<vmem>>, %arg13: memref<1x1x512xf32, #tpu.memory_space<vmem>>, %arg14: memref<4x512xi32, #tpu.memory_space<vmem>>, %arg15: memref<1x16xi32, #tpu.memory_space<vmem>>, %arg16: memref<1x16xi32, #tpu.memory_space<vmem>>, %arg17: memref<1x16xi32, #tpu.memory_space<vmem>>, %arg18: memref<1x1xf32, #tpu.memory_space<vmem>>, %arg19: memref<1x8xf32, #tpu.memory_space<vmem>>, %arg20: memref<1x8xf32, #tpu.memory_space<vmem>>, %arg21: memref<4x512xi32, #tpu.memory_space<vmem>>, %arg22: memref<4x512xf32, #tpu.memory_space<vmem>>, %arg23: memref<8x1xf32, #tpu.memory_space<vmem>>) attributes {dimension_semantics = [#tpu.dimension_semantics<arbitrary>], iteration_bounds = array<i64: 4>, scalar_prefetch = 0 : i64, scratch_operands = 5 : i64, tpu.core_type = #tpu.core_type<tc>, window_params = [{transform_indices = @transform_0, window_bounds = array<i64: 1, 1, 512>}, {transform_indices = @transform_1, window_bounds = array<i64: 1, 1, 512>}, {transform_indices = @transform_2, window_bounds = array<i64: 1, 1, 512>}, {pipeline_mode = #tpu.pipeline_mode<synchronous>, transform_indices = @transform_3, window_bounds = array<i64: 2, 256>}, {pipeline_mode = #tpu.pipeline_mode<synchronous>, transform_indices = @transform_4, window_bounds = array<i64: 280, 1024>}, {pipeline_mode = #tpu.pipeline_mode<synchronous>, transform_indices = @transform_5, window_bounds = array<i64: 1, 1024>}, {pipeline_mode = #tpu.pipeline_mode<synchronous>, transform_indices = @transform_6, window_bounds = array<i64: 1, 1024>}, {pipeline_mode = #tpu.pipeline_mode<synchronous>, transform_indices = @transform_7, window_bounds = array<i64: 1, 1024>}, {pipeline_mode = #tpu.pipeline_mode<synchronous>, transform_indices = @transform_8, window_bounds = array<i64: 1024, 8>}, {pipeline_mode = #tpu.pipeline_mode<synchronous>, transform_indices = @transform_9, window_bounds = array<i64: 1, 8>}, {transform_indices = @transform_10, window_bounds = array<i64: 512, 1024>}, {pipeline_mode = #tpu.pipeline_mode<synchronous>, transform_indices = @transform_11, window_bounds = array<i64: 4, 512>}, {transform_indices = @transform_12, window_bounds = array<i64: 1, 1, 512>}, {pipeline_mode = #tpu.pipeline_mode<synchronous>, transform_indices = @transform_13, window_bounds = array<i64: 4, 512>}, {pipeline_mode = #tpu.pipeline_mode<synchronous>, transform_indices = @transform_14, window_bounds = array<i64: 1, 16>}, {pipeline_mode = #tpu.pipeline_mode<synchronous>, transform_indices = @transform_15, window_bounds = array<i64: 1, 16>}, {pipeline_mode = #tpu.pipeline_mode<synchronous>, transform_indices = @transform_16, window_bounds = array<i64: 1, 16>}, {pipeline_mode = #tpu.pipeline_mode<synchronous>, transform_indices = @transform_17, window_bounds = array<i64: 1, 1>}]} {
    %eq3A = arith.constant 0 : i32
    %eq3A_0 = arith.cmpi eq, %arg0, %eq3A : i32
    %convert_element_type3A = arith.extui %eq3A_0 : i1 to i32
    %cond3A = arith.constant 0 : i32
    %cond3A_1 = arith.cmpi ne, %convert_element_type3A, %cond3A : i32
    scf.if %cond3A_1 {
      %broadcast_in_dim3A_271 = arith.constant 0.000000e+00 : f32
      %broadcast_in_dim3A_272 = vector.broadcast %broadcast_in_dim3A_271 : f32 to vector<1x8xf32>
      %swap3A_273 = arith.constant 0 : index
      %swap3A_274 = arith.constant 0 : index
      %swap3A_275 = vector.load %arg19[%swap3A_273, %swap3A_274] : memref<1x8xf32, #tpu.memory_space<vmem>>, vector<1x8xf32>
      tpu.vector_store %arg19[%swap3A_273, %swap3A_274], %broadcast_in_dim3A_272 {strides = array<i32>} : memref<1x8xf32, #tpu.memory_space<vmem>>, vector<1x8xf32>,
      %broadcast_in_dim3A_276 = arith.constant 0.000000e+00 : f32
      %broadcast_in_dim3A_277 = vector.broadcast %broadcast_in_dim3A_276 : f32 to vector<1x8xf32>
      %swap3A_278 = arith.constant 0 : index
      %swap3A_279 = arith.constant 0 : index
      %swap3A_280 = vector.load %arg20[%swap3A_278, %swap3A_279] : memref<1x8xf32, #tpu.memory_space<vmem>>, vector<1x8xf32>
      tpu.vector_store %arg20[%swap3A_278, %swap3A_279], %broadcast_in_dim3A_277 {strides = array<i32>} : memref<1x8xf32, #tpu.memory_space<vmem>>, vector<1x8xf32>,
    } else {
    }
    %get3A = arith.constant 0 : index
    %get3A_2 = arith.constant 0 : index
    %get3A_3 = arith.constant 0 : index
    %get3A_4 = vector.load %arg1[%get3A, %get3A_2, %get3A_3] : memref<1x1x512xi32, #tpu.memory_space<vmem>>, vector<1x1x512xi32>
    %get3A_5 = vector.shape_cast %get3A_4 : vector<1x1x512xi32> to vector<512xi32>
    %get3A_6 = arith.constant 0 : index
    %get3A_7 = arith.constant 0 : index
    %get3A_8 = arith.constant 0 : index
    %get3A_9 = vector.load %arg2[%get3A_6, %get3A_7, %get3A_8] : memref<1x1x512xi32, #tpu.memory_space<vmem>>, vector<1x1x512xi32>
    %get3A_10 = vector.shape_cast %get3A_9 : vector<1x1x512xi32> to vector<512xi32>
    %get3A_11 = arith.constant 0 : index
    %get3A_12 = arith.constant 0 : index
    %get3A_13 = arith.constant 0 : index
    %get3A_14 = vector.load %arg3[%get3A_11, %get3A_12, %get3A_13] : memref<1x1x512xi32, #tpu.memory_space<vmem>>, vector<1x1x512xi32>
    %get3A_15 = vector.shape_cast %get3A_14 : vector<1x1x512xi32> to vector<512xi32>
    %iota3A = tpu.iota {dimensions = array<i32: 0>} : vector<16x16xi32>
    %convert_element_type3A_16 = arith.sitofp %iota3A : vector<16x16xi32> to vector<16x16xf32>
    %iota3A_17 = tpu.iota {dimensions = array<i32: 1>} : vector<16x16xi32>
    %lt3A = arith.constant 6 : i32
    %lt3A_18 = vector.broadcast %lt3A : i32 to vector<16x16xi32>
    %lt3A_19 = arith.cmpi slt, %iota3A_17, %lt3A_18 : vector<16x16xi32>
    %sub3A = arith.constant 6 : i32
    %sub3A_20 = vector.broadcast %sub3A : i32 to vector<16x16xi32>
    %sub3A_21 = arith.subi %iota3A_17, %sub3A_20 : vector<16x16xi32>
    %select_n3A = arith.select %lt3A_19, %iota3A_17, %sub3A_21 : vector<16x16xi1>, vector<16x16xi32>
    %shift_left3A = arith.constant 1 : i32
    %shift_left3A_22 = vector.broadcast %shift_left3A : i32 to vector<16x16xi32>
    %shift_left3A_23 = arith.shli %shift_left3A_22, %select_n3A : vector<16x16xi32>
    %convert_element_type3A_24 = arith.sitofp %shift_left3A_23 : vector<16x16xi32> to vector<16x16xf32>
    %mul3A = arith.constant 0.392699093 : f32
    %mul3A_25 = vector.broadcast %mul3A : f32 to vector<16x16xf32>
    %mul3A_26 = arith.mulf %convert_element_type3A_16, %mul3A_25 : vector<16x16xf32>
    %mul3A_27 = arith.mulf %mul3A_26, %convert_element_type3A_24 : vector<16x16xf32>
    %lt3A_28 = arith.constant 6 : i32
    %lt3A_29 = vector.broadcast %lt3A_28 : i32 to vector<16x16xi32>
    %lt3A_30 = arith.cmpi slt, %iota3A_17, %lt3A_29 : vector<16x16xi32>
    %sin3A = math.sin %mul3A_27 : vector<16x16xf32>
    %lt3A_31 = arith.constant 12 : i32
    %lt3A_32 = vector.broadcast %lt3A_31 : i32 to vector<16x16xi32>
    %lt3A_33 = arith.cmpi slt, %iota3A_17, %lt3A_32 : vector<16x16xi32>
    %cos3A = math.cos %mul3A_27 : vector<16x16xf32>
    %jit3A = arith.constant 0.000000e+00 : f32
    %broadcast_in_dim3A = vector.broadcast %jit3A : f32 to vector<16x16xf32>
    %select_n3A_34 = arith.select %lt3A_33, %cos3A, %broadcast_in_dim3A : vector<16x16xi1>, vector<16x16xf32>
    %select_n3A_35 = arith.select %lt3A_30, %sin3A, %select_n3A_34 : vector<16x16xi1>, vector<16x16xf32>
    %convert_element_type3A_36 = arith.truncf %select_n3A_35 : vector<16x16xf32> to vector<16x16xbf16>
    %lt3A_37 = arith.constant 10 : i32
    %lt3A_38 = vector.broadcast %lt3A_37 : i32 to vector<16x16xi32>
    %lt3A_39 = arith.cmpi slt, %iota3A_17, %lt3A_38 : vector<16x16xi32>
    %sub3A_40 = arith.constant 4 : i32
    %sub3A_41 = vector.broadcast %sub3A_40 : i32 to vector<16x16xi32>
    %sub3A_42 = arith.subi %iota3A_17, %sub3A_41 : vector<16x16xi32>
    %sub3A_43 = arith.constant 10 : i32
    %sub3A_44 = vector.broadcast %sub3A_43 : i32 to vector<16x16xi32>
    %sub3A_45 = arith.subi %iota3A_17, %sub3A_44 : vector<16x16xi32>
    %select_n3A_46 = arith.select %lt3A_39, %sub3A_42, %sub3A_45 : vector<16x16xi1>, vector<16x16xi32>
    %max3A = arith.constant 0 : i32
    %max3A_47 = vector.broadcast %max3A : i32 to vector<16x16xi32>
    %max3A_48 = arith.maxsi %select_n3A_46, %max3A_47 : vector<16x16xi32>
    %shift_left3A_49 = arith.constant 1 : i32
    %shift_left3A_50 = vector.broadcast %shift_left3A_49 : i32 to vector<16x16xi32>
    %shift_left3A_51 = arith.shli %shift_left3A_50, %max3A_48 : vector<16x16xi32>
    %convert_element_type3A_52 = arith.sitofp %shift_left3A_51 : vector<16x16xi32> to vector<16x16xf32>
    %mul3A_53 = arith.constant 0.392699093 : f32
    %mul3A_54 = vector.broadcast %mul3A_53 : f32 to vector<16x16xf32>
    %mul3A_55 = arith.mulf %convert_element_type3A_16, %mul3A_54 : vector<16x16xf32>
    %mul3A_56 = arith.mulf %mul3A_55, %convert_element_type3A_52 : vector<16x16xf32>
    %lt3A_57 = arith.constant 4 : i32
    %lt3A_58 = vector.broadcast %lt3A_57 : i32 to vector<16x16xi32>
    %lt3A_59 = arith.cmpi slt, %iota3A_17, %lt3A_58 : vector<16x16xi32>
    %lt3A_60 = arith.constant 10 : i32
    %lt3A_61 = vector.broadcast %lt3A_60 : i32 to vector<16x16xi32>
    %lt3A_62 = arith.cmpi slt, %iota3A_17, %lt3A_61 : vector<16x16xi32>
    %sin3A_63 = math.sin %mul3A_56 : vector<16x16xf32>
    %cos3A_64 = math.cos %mul3A_56 : vector<16x16xf32>
    %select_n3A_65 = arith.select %lt3A_62, %sin3A_63, %cos3A_64 : vector<16x16xi1>, vector<16x16xf32>
    %jit3A_66 = arith.constant 0.000000e+00 : f32
    %broadcast_in_dim3A_67 = vector.broadcast %jit3A_66 : f32 to vector<16x16xf32>
    %select_n3A_68 = arith.select %lt3A_59, %broadcast_in_dim3A_67, %select_n3A_65 : vector<16x16xi1>, vector<16x16xf32>
    %convert_element_type3A_69 = arith.truncf %select_n3A_68 : vector<16x16xf32> to vector<16x16xbf16>
    %iota3A_70 = tpu.iota {dimensions = array<i32: 1>} : vector<512x16xi32>
    %iota3A_71 = tpu.iota {dimensions = array<i32: 1>} : vector<512x2xi32>
    %broadcast_in_dim3A_72 = vector.shape_cast %get3A_5 : vector<512xi32> to vector<512x1xi32>
    %eq3A_73 = vector.broadcast %broadcast_in_dim3A_72 : vector<512x1xi32> to vector<512x2xi32>
    %eq3A_74 = arith.cmpi eq, %iota3A_71, %eq3A_73 : vector<512x2xi32>
    %convert_element_type3A_75 = arith.extui %eq3A_74 : vector<512x2xi1> to vector<512x2xi32>
    %convert_element_type3A_76 = arith.sitofp %convert_element_type3A_75 : vector<512x2xi32> to vector<512x2xf32>
    %convert_element_type3A_77 = arith.truncf %convert_element_type3A_76 : vector<512x2xf32> to vector<512x2xbf16>
    %broadcast_in_dim3A_78 = vector.shape_cast %get3A_10 : vector<512xi32> to vector<512x1xi32>
    %eq3A_79 = vector.broadcast %broadcast_in_dim3A_78 : vector<512x1xi32> to vector<512x16xi32>
    %eq3A_80 = arith.cmpi eq, %iota3A_70, %eq3A_79 : vector<512x16xi32>
    %convert_element_type3A_81 = arith.extui %eq3A_80 : vector<512x16xi1> to vector<512x16xi32>
    %convert_element_type3A_82 = arith.sitofp %convert_element_type3A_81 : vector<512x16xi32> to vector<512x16xf32>
    %convert_element_type3A_83 = arith.truncf %convert_element_type3A_82 : vector<512x16xf32> to vector<512x16xbf16>
    %broadcast_in_dim3A_84 = vector.shape_cast %get3A_15 : vector<512xi32> to vector<512x1xi32>
    %eq3A_85 = vector.broadcast %broadcast_in_dim3A_84 : vector<512x1xi32> to vector<512x16xi32>
    %eq3A_86 = arith.cmpi eq, %iota3A_70, %eq3A_85 : vector<512x16xi32>
    %convert_element_type3A_87 = arith.extui %eq3A_86 : vector<512x16xi1> to vector<512x16xi32>
    %convert_element_type3A_88 = arith.sitofp %convert_element_type3A_87 : vector<512x16xi32> to vector<512x16xf32>
    %convert_element_type3A_89 = arith.truncf %convert_element_type3A_88 : vector<512x16xf32> to vector<512x16xbf16>
    %get3A_90 = arith.constant 0 : index
    %get3A_91 = arith.constant 0 : index
    %get3A_92 = vector.load %arg4[%get3A_90, %get3A_91] : memref<2x256xf32, #tpu.memory_space<vmem>>, vector<2x256xf32>
    %convert_element_type3A_93 = arith.truncf %get3A_92 : vector<2x256xf32> to vector<2x256xbf16>
    %dot_general3A = arith.constant dense<0.000000e+00> : vector<512x256xf32>
    %dot_general3A_94 = tpu.matmul %convert_element_type3A_77, %convert_element_type3A_93, %dot_general3A {dimension_numbers = #tpu.dot_dimension_numbers<[1], [0], [0], [1], [0, 0, 1, 1], [], []>, transpose_lhs_hint = false} : vector<512x2xbf16>, vector<2x256xbf16>, vector<512x256xf32> -> vector<512x256xf32>
    %dot_general3A_95 = arith.constant dense<0.000000e+00> : vector<512x16xf32>
    %dot_general3A_96 = tpu.matmul %convert_element_type3A_83, %convert_element_type3A_36, %dot_general3A_95 {dimension_numbers = #tpu.dot_dimension_numbers<[1], [0], [0], [1], [0, 0, 1, 1], [], []>, transpose_lhs_hint = false} : vector<512x16xbf16>, vector<16x16xbf16>, vector<512x16xf32> -> vector<512x16xf32>
    %dot_general3A_97 = arith.constant dense<0.000000e+00> : vector<512x16xf32>
    %dot_general3A_98 = tpu.matmul %convert_element_type3A_89, %convert_element_type3A_69, %dot_general3A_97 {dimension_numbers = #tpu.dot_dimension_numbers<[1], [0], [0], [1], [0, 0, 1, 1], [], []>, transpose_lhs_hint = false} : vector<512x16xbf16>, vector<16x16xbf16>, vector<512x16xf32> -> vector<512x16xf32>
    %convert_element_type3A_99 = arith.truncf %dot_general3A_94 : vector<512x256xf32> to vector<512x256xbf16>
    %get3A_100 = arith.constant 0 : index
    %get3A_101 = arith.constant 0 : index
    %get3A_102 = vector.load %arg5[%get3A_100, %get3A_101] : memref<280x1024xf32, #tpu.memory_space<vmem>>, vector<256x1024xf32>
    %convert_element_type3A_103 = arith.truncf %get3A_102 : vector<256x1024xf32> to vector<256x1024xbf16>
    %dot_general3A_104 = arith.constant dense<0.000000e+00> : vector<512x1024xf32>
    %dot_general3A_105 = tpu.matmul %convert_element_type3A_99, %convert_element_type3A_103, %dot_general3A_104 {dimension_numbers = #tpu.dot_dimension_numbers<[1], [0], [0], [1], [0, 0, 1, 1], [], []>, transpose_lhs_hint = false} : vector<512x256xbf16>, vector<256x1024xbf16>, vector<512x1024xf32> -> vector<512x1024xf32>
    %convert_element_type3A_106 = arith.truncf %dot_general3A_96 : vector<512x16xf32> to vector<512x16xbf16>
    %get3A_107 = arith.constant 256 : index
    %get3A_108 = arith.constant 0 : index
    %get3A_109 = vector.load %arg5[%get3A_107, %get3A_108] : memref<280x1024xf32, #tpu.memory_space<vmem>>, vector<16x1024xf32>
    %convert_element_type3A_110 = arith.truncf %get3A_109 : vector<16x1024xf32> to vector<16x1024xbf16>
    %dot_general3A_111 = arith.constant dense<0.000000e+00> : vector<512x1024xf32>
    %dot_general3A_112 = tpu.matmul %convert_element_type3A_106, %convert_element_type3A_110, %dot_general3A_111 {dimension_numbers = #tpu.dot_dimension_numbers<[1], [0], [0], [1], [0, 0, 1, 1], [], []>, transpose_lhs_hint = false} : vector<512x16xbf16>, vector<16x1024xbf16>, vector<512x1024xf32> -> vector<512x1024xf32>
    %add3A = arith.addf %dot_general3A_105, %dot_general3A_112 : vector<512x1024xf32>
    %convert_element_type3A_113 = arith.truncf %dot_general3A_98 : vector<512x16xf32> to vector<512x16xbf16>
    %get3A_114 = arith.constant 264 : index
    %get3A_115 = arith.constant 0 : index
    %get3A_116 = vector.load %arg5[%get3A_114, %get3A_115] : memref<280x1024xf32, #tpu.memory_space<vmem>>, vector<16x1024xf32>
    %convert_element_type3A_117 = arith.truncf %get3A_116 : vector<16x1024xf32> to vector<16x1024xbf16>
    %dot_general3A_118 = arith.constant dense<0.000000e+00> : vector<512x1024xf32>
    %dot_general3A_119 = tpu.matmul %convert_element_type3A_113, %convert_element_type3A_117, %dot_general3A_118 {dimension_numbers = #tpu.dot_dimension_numbers<[1], [0], [0], [1], [0, 0, 1, 1], [], []>, transpose_lhs_hint = false} : vector<512x16xbf16>, vector<16x1024xbf16>, vector<512x1024xf32> -> vector<512x1024xf32>
    %add3A_120 = arith.addf %add3A, %dot_general3A_119 : vector<512x1024xf32>
    %get3A_121 = arith.constant 0 : index
    %get3A_122 = arith.constant 0 : index
    %get3A_123 = vector.load %arg6[%get3A_121, %get3A_122] : memref<1x1024xf32, #tpu.memory_space<vmem>>, vector<1x1024xf32>
    %add3A_124 = vector.broadcast %get3A_123 : vector<1x1024xf32> to vector<512x1024xf32>
    %add3A_125 = arith.addf %add3A_120, %add3A_124 : vector<512x1024xf32>
    %get3A_126 = arith.constant 0 : index
    %get3A_127 = arith.constant 0 : index
    %get3A_128 = vector.load %arg7[%get3A_126, %get3A_127] : memref<1x1024xf32, #tpu.memory_space<vmem>>, vector<1x1024xf32>
    %get3A_129 = arith.constant 0 : index
    %get3A_130 = arith.constant 0 : index
    %get3A_131 = vector.load %arg8[%get3A_129, %get3A_130] : memref<1x1024xf32, #tpu.memory_space<vmem>>, vector<1x1024xf32>
    %reduce_sum3A = arith.constant dense<0.000000e+00> : vector<512xf32>
    %reduce_sum3A_132 = vector.multi_reduction <add>, %add3A_125, %reduce_sum3A [1] : vector<512x1024xf32> to vector<512xf32>
    %broadcast_in_dim3A_133 = vector.shape_cast %reduce_sum3A_132 : vector<512xf32> to vector<512x1xf32>
    %div3A = arith.constant 1.024000e+03 : f32
    %div3A_134 = vector.broadcast %div3A : f32 to vector<512x1xf32>
    %div3A_135 = arith.divf %broadcast_in_dim3A_133, %div3A_134 : vector<512x1xf32>
    %sub3A_136 = vector.broadcast %div3A_135 : vector<512x1xf32> to vector<512x1024xf32>
    %sub3A_137 = arith.subf %add3A_125, %sub3A_136 : vector<512x1024xf32>
    %mul3A_138 = arith.mulf %sub3A_137, %sub3A_137 : vector<512x1024xf32>
    %reduce_sum3A_139 = arith.constant dense<0.000000e+00> : vector<512xf32>
    %reduce_sum3A_140 = vector.multi_reduction <add>, %mul3A_138, %reduce_sum3A_139 [1] : vector<512x1024xf32> to vector<512xf32>
    %broadcast_in_dim3A_141 = vector.shape_cast %reduce_sum3A_140 : vector<512xf32> to vector<512x1xf32>
    %div3A_142 = arith.constant 1.024000e+03 : f32
    %div3A_143 = vector.broadcast %div3A_142 : f32 to vector<512x1xf32>
    %div3A_144 = arith.divf %broadcast_in_dim3A_141, %div3A_143 : vector<512x1xf32>
    %add3A_145 = arith.constant 9.99999974E-6 : f32
    %add3A_146 = vector.broadcast %add3A_145 : f32 to vector<512x1xf32>
    %add3A_147 = arith.addf %div3A_144, %add3A_146 : vector<512x1xf32>
    %sqrt3A = math.sqrt %add3A_147 : vector<512x1xf32>
    %div3A_148 = vector.broadcast %sqrt3A : vector<512x1xf32> to vector<512x1024xf32>
    %div3A_149 = arith.divf %sub3A_137, %div3A_148 : vector<512x1024xf32>
    %mul3A_150 = vector.broadcast %get3A_128 : vector<1x1024xf32> to vector<512x1024xf32>
    %mul3A_151 = arith.mulf %div3A_149, %mul3A_150 : vector<512x1024xf32>
    %add3A_152 = vector.broadcast %get3A_131 : vector<1x1024xf32> to vector<512x1024xf32>
    %add3A_153 = arith.addf %mul3A_151, %add3A_152 : vector<512x1024xf32>
    %swap3A = arith.constant 0 : index
    %swap3A_154 = arith.constant 0 : index
    %swap3A_155 = vector.load %arg11[%swap3A, %swap3A_154] : memref<512x1024xf32, #tpu.memory_space<vmem>>, vector<512x1024xf32>
    tpu.vector_store %arg11[%swap3A, %swap3A_154], %add3A_153 {strides = array<i32>} : memref<512x1024xf32, #tpu.memory_space<vmem>>, vector<512x1024xf32>,
    %iota3A_156 = tpu.iota {dimensions = array<i32: 1>} : vector<512x8xi32>
    %convert_element_type3A_157 = arith.truncf %add3A_153 : vector<512x1024xf32> to vector<512x1024xbf16>
    %get3A_158 = arith.constant 0 : index
    %get3A_159 = arith.constant 0 : index
    %get3A_160 = vector.load %arg9[%get3A_158, %get3A_159] : memref<1024x8xf32, #tpu.memory_space<vmem>>, vector<1024x8xf32>
    %convert_element_type3A_161 = arith.truncf %get3A_160 : vector<1024x8xf32> to vector<1024x8xbf16>
    %dot_general3A_162 = arith.constant dense<0.000000e+00> : vector<512x8xf32>
    %dot_general3A_163 = tpu.matmul %convert_element_type3A_157, %convert_element_type3A_161, %dot_general3A_162 {dimension_numbers = #tpu.dot_dimension_numbers<[1], [0], [0], [1], [0, 0, 1, 1], [], []>, transpose_lhs_hint = false} : vector<512x1024xbf16>, vector<1024x8xbf16>, vector<512x8xf32> -> vector<512x8xf32>
    %get3A_164 = arith.constant 0 : index
    %get3A_165 = arith.constant 0 : index
    %get3A_166 = vector.load %arg10[%get3A_164, %get3A_165] : memref<1x8xf32, #tpu.memory_space<vmem>>, vector<1x8xf32>
    %add3A_167 = vector.broadcast %get3A_166 : vector<1x8xf32> to vector<512x8xf32>
    %add3A_168 = arith.addf %dot_general3A_163, %add3A_167 : vector<512x8xf32>
    %reduce_max3A = arith.constant dense<0xFF800000> : vector<512xf32>
    %reduce_max3A_169 = vector.multi_reduction <maximumf>, %add3A_168, %reduce_max3A [1] : vector<512x8xf32> to vector<512xf32>
    %broadcast_in_dim3A_170 = vector.shape_cast %reduce_max3A_169 : vector<512xf32> to vector<512x1xf32>
    %sub3A_171 = vector.broadcast %broadcast_in_dim3A_170 : vector<512x1xf32> to vector<512x8xf32>
    %sub3A_172 = arith.subf %add3A_168, %sub3A_171 : vector<512x8xf32>
    %exp3A = math.exp %sub3A_172 : vector<512x8xf32>
    %reduce_sum3A_173 = arith.constant dense<0.000000e+00> : vector<512xf32>
    %reduce_sum3A_174 = vector.multi_reduction <add>, %exp3A, %reduce_sum3A_173 [1] : vector<512x8xf32> to vector<512xf32>
    %broadcast_in_dim3A_175 = vector.shape_cast %reduce_sum3A_174 : vector<512xf32> to vector<512x1xf32>
    %div3A_176 = vector.broadcast %broadcast_in_dim3A_175 : vector<512x1xf32> to vector<512x8xf32>
    %div3A_177 = arith.divf %exp3A, %div3A_176 : vector<512x8xf32>
    %reduce_max3A_178 = arith.constant dense<0xFF800000> : vector<512xf32>
    %reduce_max3A_179 = vector.multi_reduction <maximumf>, %div3A_177, %reduce_max3A_178 [1] : vector<512x8xf32> to vector<512xf32>
    %broadcast_in_dim3A_180 = vector.shape_cast %reduce_max3A_179 : vector<512xf32> to vector<512x1xf32>
    %eq3A_181 = vector.broadcast %broadcast_in_dim3A_180 : vector<512x1xf32> to vector<512x8xf32>
    %eq3A_182 = arith.cmpf oeq, %div3A_177, %eq3A_181 : vector<512x8xf32>
    %jit3A_183 = arith.constant 8 : i32
    %broadcast_in_dim3A_184 = vector.broadcast %jit3A_183 : i32 to vector<512x8xi32>
    %select_n3A_185 = arith.select %eq3A_182, %iota3A_156, %broadcast_in_dim3A_184 : vector<512x8xi1>, vector<512x8xi32>
    %reduce_min3A = arith.constant dense<2147483647> : vector<512xi32>
    %reduce_min3A_186 = vector.multi_reduction <minsi>, %select_n3A_185, %reduce_min3A [1] : vector<512x8xi32> to vector<512xi32>
    %swap3A_187 = arith.constant 0 : index
    %swap3A_188 = arith.constant 0 : index
    %swap3A_189 = arith.constant 0 : index
    %swap3A_190 = vector.load %arg13[%swap3A_187, %swap3A_188, %swap3A_189] : memref<1x1x512xf32, #tpu.memory_space<vmem>>, vector<1x1x512xf32>
    %swap3A_191 = vector.shape_cast %swap3A_190 : vector<1x1x512xf32> to vector<512xf32>
    %swap3A_192 = vector.shape_cast %reduce_max3A_179 : vector<512xf32> to vector<1x1x512xf32>
    tpu.vector_store %arg13[%swap3A_187, %swap3A_188, %swap3A_189], %swap3A_192 {strides = array<i32>} : memref<1x1x512xf32, #tpu.memory_space<vmem>>, vector<1x1x512xf32>,
    %broadcast_in_dim3A_193 = vector.shape_cast %reduce_min3A_186 : vector<512xi32> to vector<1x512xi32>
    %swap3A_194 = arith.index_cast %arg0 : i32 to index
    %swap3A_195 = arith.constant 0 : index
    %swap3A_196 = vector.load %arg21[%swap3A_194, %swap3A_195] : memref<4x512xi32, #tpu.memory_space<vmem>>, vector<1x512xi32>
    tpu.vector_store %arg21[%swap3A_194, %swap3A_195], %broadcast_in_dim3A_193 {strides = array<i32>} : memref<4x512xi32, #tpu.memory_space<vmem>>, vector<1x512xi32>,
    %broadcast_in_dim3A_197 = vector.shape_cast %reduce_min3A_186 : vector<512xi32> to vector<512x1xi32>
    %eq3A_198 = vector.broadcast %broadcast_in_dim3A_197 : vector<512x1xi32> to vector<512x8xi32>
    %eq3A_199 = arith.cmpi eq, %iota3A_156, %eq3A_198 : vector<512x8xi32>
    %convert_element_type3A_200 = arith.extui %eq3A_199 : vector<512x8xi1> to vector<512x8xi32>
    %convert_element_type3A_201 = arith.sitofp %convert_element_type3A_200 : vector<512x8xi32> to vector<512x8xf32>
    %convert_element_type3A_202 = arith.truncf %convert_element_type3A_201 : vector<512x8xf32> to vector<512x8xbf16>
    %iota3A_203 = tpu.iota {dimensions = array<i32: 0>} : vector<512x512xi32>
    %iota3A_204 = tpu.iota {dimensions = array<i32: 1>} : vector<512x512xi32>
    %gt3A = arith.cmpi sgt, %iota3A_203, %iota3A_204 : vector<512x512xi32>
    %convert_element_type3A_205 = arith.extui %gt3A : vector<512x512xi1> to vector<512x512xi32>
    %convert_element_type3A_206 = arith.sitofp %convert_element_type3A_205 : vector<512x512xi32> to vector<512x512xf32>
    %convert_element_type3A_207 = arith.truncf %convert_element_type3A_206 : vector<512x512xf32> to vector<512x512xbf16>
    %dot_general3A_208 = arith.constant dense<0.000000e+00> : vector<512x8xf32>
    %dot_general3A_209 = tpu.matmul %convert_element_type3A_207, %convert_element_type3A_202, %dot_general3A_208 {dimension_numbers = #tpu.dot_dimension_numbers<[1], [0], [0], [1], [0, 0, 1, 1], [], []>, transpose_lhs_hint = false} : vector<512x512xbf16>, vector<512x8xbf16>, vector<512x8xf32> -> vector<512x8xf32>
    %convert_element_type3A_210 = arith.extf %convert_element_type3A_202 : vector<512x8xbf16> to vector<512x8xf32>
    %get3A_211 = arith.constant 0 : index
    %get3A_212 = arith.constant 0 : index
    %get3A_213 = vector.load %arg19[%get3A_211, %get3A_212] : memref<1x8xf32, #tpu.memory_space<vmem>>, vector<1x8xf32>
    %add3A_214 = vector.broadcast %get3A_213 : vector<1x8xf32> to vector<512x8xf32>
    %add3A_215 = arith.addf %dot_general3A_209, %add3A_214 : vector<512x8xf32>
    %mul3A_216 = arith.mulf %add3A_215, %convert_element_type3A_210 : vector<512x8xf32>
    %reduce_sum3A_217 = arith.constant dense<0.000000e+00> : vector<512xf32>
    %reduce_sum3A_218 = vector.multi_reduction <add>, %mul3A_216, %reduce_sum3A_217 [1] : vector<512x8xf32> to vector<512xf32>
    %broadcast_in_dim3A_219 = vector.shape_cast %reduce_sum3A_218 : vector<512xf32> to vector<1x512xf32>
    %swap3A_220 = arith.index_cast %arg0 : i32 to index
    %swap3A_221 = arith.constant 0 : index
    %swap3A_222 = vector.load %arg22[%swap3A_220, %swap3A_221] : memref<4x512xf32, #tpu.memory_space<vmem>>, vector<1x512xf32>
    tpu.vector_store %arg22[%swap3A_220, %swap3A_221], %broadcast_in_dim3A_219 {strides = array<i32>} : memref<4x512xf32, #tpu.memory_space<vmem>>, vector<1x512xf32>,
    %get3A_223 = arith.constant 0 : index
    %get3A_224 = arith.constant 0 : index
    %get3A_225 = vector.load %arg19[%get3A_223, %get3A_224] : memref<1x8xf32, #tpu.memory_space<vmem>>, vector<1x8xf32>
    %reduce_sum3A_226 = arith.constant dense<0.000000e+00> : vector<8xf32>
    %reduce_sum3A_227 = vector.multi_reduction <add>, %convert_element_type3A_210, %reduce_sum3A_226 [0] : vector<512x8xf32> to vector<8xf32>
    %broadcast_in_dim3A_228 = vector.shape_cast %reduce_sum3A_227 : vector<8xf32> to vector<1x8xf32>
    %add3A_229 = arith.addf %get3A_225, %broadcast_in_dim3A_228 : vector<1x8xf32>
    %swap3A_230 = arith.constant 0 : index
    %swap3A_231 = arith.constant 0 : index
    %swap3A_232 = vector.load %arg19[%swap3A_230, %swap3A_231] : memref<1x8xf32, #tpu.memory_space<vmem>>, vector<1x8xf32>
    tpu.vector_store %arg19[%swap3A_230, %swap3A_231], %add3A_229 {strides = array<i32>} : memref<1x8xf32, #tpu.memory_space<vmem>>, vector<1x8xf32>,
    %get3A_233 = arith.constant 0 : index
    %get3A_234 = arith.constant 0 : index
    %get3A_235 = vector.load %arg20[%get3A_233, %get3A_234] : memref<1x8xf32, #tpu.memory_space<vmem>>, vector<1x8xf32>
    %reduce_sum3A_236 = arith.constant dense<0.000000e+00> : vector<8xf32>
    %reduce_sum3A_237 = vector.multi_reduction <add>, %div3A_177, %reduce_sum3A_236 [0] : vector<512x8xf32> to vector<8xf32>
    %broadcast_in_dim3A_238 = vector.shape_cast %reduce_sum3A_237 : vector<8xf32> to vector<1x8xf32>
    %add3A_239 = arith.addf %get3A_235, %broadcast_in_dim3A_238 : vector<1x8xf32>
    %swap3A_240 = arith.constant 0 : index
    %swap3A_241 = arith.constant 0 : index
    %swap3A_242 = vector.load %arg20[%swap3A_240, %swap3A_241] : memref<1x8xf32, #tpu.memory_space<vmem>>, vector<1x8xf32>
    tpu.vector_store %arg20[%swap3A_240, %swap3A_241], %add3A_239 {strides = array<i32>} : memref<1x8xf32, #tpu.memory_space<vmem>>, vector<1x8xf32>,
    %iota3A_243 = tpu.iota {dimensions = array<i32: 0>} : vector<8x512xi32>
    %broadcast_in_dim3A_244 = vector.shape_cast %reduce_min3A_186 : vector<512xi32> to vector<1x512xi32>
    %eq3A_245 = vector.broadcast %broadcast_in_dim3A_244 : vector<1x512xi32> to vector<8x512xi32>
    %eq3A_246 = arith.cmpi eq, %iota3A_243, %eq3A_245 : vector<8x512xi32>
    %convert_element_type3A_247 = arith.extui %eq3A_246 : vector<8x512xi1> to vector<8x512xi32>
    %convert_element_type3A_248 = arith.sitofp %convert_element_type3A_247 : vector<8x512xi32> to vector<8x512xf32>
    %convert_element_type3A_249 = arith.truncf %convert_element_type3A_248 : vector<8x512xf32> to vector<8x512xbf16>
    %eq3A_250 = arith.constant 0 : i32
    %eq3A_251 = arith.cmpi eq, %arg0, %eq3A_250 : i32
    %get3A_252 = arith.constant 0 : index
    %get3A_253 = arith.constant 0 : index
    %get3A_254 = vector.load %arg23[%get3A_252, %get3A_253] : memref<8x1xf32, #tpu.memory_space<vmem>>, vector<8x1xf32>
    %jit3A_255 = arith.constant 0.000000e+00 : f32
    %broadcast_in_dim3A_256 = vector.broadcast %jit3A_255 : f32 to vector<8x1xf32>
    %select_n3A_257 = arith.select %eq3A_251, %broadcast_in_dim3A_256, %get3A_254 : vector<8x1xf32>
    %broadcast_in_dim3A_258 = arith.constant 1.000000e+00 : bf16
    %broadcast_in_dim3A_259 = vector.broadcast %broadcast_in_dim3A_258 : bf16 to vector<512x1xbf16>
    %dot_general3A_260 = arith.constant dense<0.000000e+00> : vector<8x1xf32>
    %dot_general3A_261 = tpu.matmul %convert_element_type3A_249, %broadcast_in_dim3A_259, %dot_general3A_260 {dimension_numbers = #tpu.dot_dimension_numbers<[1], [0], [0], [1], [0, 0, 1, 1], [], []>, transpose_lhs_hint = false} : vector<8x512xbf16>, vector<512x1xbf16>, vector<8x1xf32> -> vector<8x1xf32>
    %add3A_262 = arith.addf %select_n3A_257, %dot_general3A_261 : vector<8x1xf32>
    %swap3A_263 = arith.constant 0 : index
    %swap3A_264 = arith.constant 0 : index
    %swap3A_265 = vector.load %arg23[%swap3A_263, %swap3A_264] : memref<8x1xf32, #tpu.memory_space<vmem>>, vector<8x1xf32>
    tpu.vector_store %arg23[%swap3A_263, %swap3A_264], %add3A_262 {strides = array<i32>} : memref<8x1xf32, #tpu.memory_space<vmem>>, vector<8x1xf32>,
    %eq3A_266 = arith.constant 3 : i32
    %eq3A_267 = arith.cmpi eq, %arg0, %eq3A_266 : i32
    %convert_element_type3A_268 = arith.extui %eq3A_267 : i1 to i32
    %cond3A_269 = arith.constant 0 : i32
    %cond3A_270 = arith.cmpi ne, %convert_element_type3A_268, %cond3A_269 : i32
    scf.if %cond3A_270 {
      %get3A_271 = arith.constant 0 : index
      %get3A_272 = arith.constant 0 : index
      %get3A_273 = vector.load %arg21[%get3A_271, %get3A_272] : memref<4x512xi32, #tpu.memory_space<vmem>>, vector<4x512xi32>
      %swap3A_274 = arith.constant 0 : index
      %swap3A_275 = arith.constant 0 : index
      %swap3A_276 = vector.load %arg12[%swap3A_274, %swap3A_275] : memref<4x512xi32, #tpu.memory_space<vmem>>, vector<4x512xi32>
      tpu.vector_store %arg12[%swap3A_274, %swap3A_275], %get3A_273 {strides = array<i32>} : memref<4x512xi32, #tpu.memory_space<vmem>>, vector<4x512xi32>,
      %get3A_277 = arith.constant 0 : index
      %get3A_278 = arith.constant 0 : index
      %get3A_279 = vector.load %arg23[%get3A_277, %get3A_278] : memref<8x1xf32, #tpu.memory_space<vmem>>, vector<8x1xf32>
      %add3A_280 = arith.constant 2.550000e+02 : f32
      %add3A_281 = vector.broadcast %add3A_280 : f32 to vector<8x1xf32>
      %add3A_282 = arith.addf %get3A_279, %add3A_281 : vector<8x1xf32>
      %mul3A_283 = arith.constant 3.906250e-03 : f32
      %mul3A_284 = vector.broadcast %mul3A_283 : f32 to vector<8x1xf32>
      %mul3A_285 = arith.mulf %add3A_282, %mul3A_284 : vector<8x1xf32>
      %floor3A = math.floor %mul3A_285 : vector<8x1xf32>
      %iota3A_286 = tpu.iota {dimensions = array<i32: 1>} : vector<8x8xi32>
      %iota3A_287 = tpu.iota {dimensions = array<i32: 0>} : vector<8x8xi32>
      %le3A = arith.cmpi sle, %iota3A_286, %iota3A_287 : vector<8x8xi32>
      %convert_element_type3A_288 = arith.extui %le3A : vector<8x8xi1> to vector<8x8xi32>
      %convert_element_type3A_289 = arith.sitofp %convert_element_type3A_288 : vector<8x8xi32> to vector<8x8xf32>
      %dot_general3A_290 = arith.constant dense<0.000000e+00> : vector<8x1xf32>
      %dot_general3A_291 = tpu.matmul %convert_element_type3A_289, %floor3A, %dot_general3A_290 {dimension_numbers = #tpu.dot_dimension_numbers<[1], [0], [0], [1], [0, 0, 1, 1], [], []>, transpose_lhs_hint = false} : vector<8x8xf32>, vector<8x1xf32>, vector<8x1xf32> -> vector<8x1xf32>
      %sub3A_292 = arith.subf %dot_general3A_291, %floor3A : vector<8x1xf32>
      %mul3A_293 = arith.constant 2.560000e+02 : f32
      %mul3A_294 = vector.broadcast %mul3A_293 : f32 to vector<8x1xf32>
      %mul3A_295 = arith.mulf %sub3A_292, %mul3A_294 : vector<8x1xf32>
      %iota3A_296 = tpu.iota {dimensions = array<i32: 1>} : vector<8x16xi32>
      %convert_element_type3A_297 = arith.sitofp %iota3A_296 : vector<8x16xi32> to vector<8x16xf32>
      %ge3A = vector.broadcast %dot_general3A_291 : vector<8x1xf32> to vector<8x16xf32>
      %ge3A_298 = arith.cmpf oge, %convert_element_type3A_297, %ge3A : vector<8x16xf32>
      %convert_element_type3A_299 = arith.extui %ge3A_298 : vector<8x16xi1> to vector<8x16xi32>
      %convert_element_type3A_300 = arith.sitofp %convert_element_type3A_299 : vector<8x16xi32> to vector<8x16xf32>
      %reduce_sum3A_301 = arith.constant dense<0.000000e+00> : vector<16xf32>
      %reduce_sum3A_302 = vector.multi_reduction <add>, %convert_element_type3A_300, %reduce_sum3A_301 [0] : vector<8x16xf32> to vector<16xf32>
      %broadcast_in_dim3A_303 = vector.shape_cast %reduce_sum3A_302 : vector<16xf32> to vector<1x16xf32>
      %min3A = arith.constant 7.000000e+00 : f32
      %min3A_304 = vector.broadcast %min3A : f32 to vector<1x16xf32>
      %min3A_305 = arith.minimumf %broadcast_in_dim3A_303, %min3A_304 : vector<1x16xf32>
      %convert_element_type3A_306 = arith.fptosi %min3A_305 : vector<1x16xf32> to vector<1x16xi32>
      %swap3A_307 = arith.constant 0 : index
      %swap3A_308 = arith.constant 0 : index
      %swap3A_309 = vector.load %arg15[%swap3A_307, %swap3A_308] : memref<1x16xi32, #tpu.memory_space<vmem>>, vector<1x16xi32>
      tpu.vector_store %arg15[%swap3A_307, %swap3A_308], %convert_element_type3A_306 {strides = array<i32>} : memref<1x16xi32, #tpu.memory_space<vmem>>, vector<1x16xi32>,
      %slice3A = vector.extract_strided_slice %convert_element_type3A_300 {offsets = [7, 0], sizes = [1, 16], strides = [1, 1]} : vector<8x16xf32> to vector<1x16xf32>
      %sub3A_310 = arith.constant 1.000000e+00 : f32
      %sub3A_311 = vector.broadcast %sub3A_310 : f32 to vector<1x16xf32>
      %sub3A_312 = arith.subf %sub3A_311, %slice3A : vector<1x16xf32>
      %convert_element_type3A_313 = arith.fptosi %sub3A_312 : vector<1x16xf32> to vector<1x16xi32>
      %swap3A_314 = arith.constant 0 : index
      %swap3A_315 = arith.constant 0 : index
      %swap3A_316 = vector.load %arg16[%swap3A_314, %swap3A_315] : memref<1x16xi32, #tpu.memory_space<vmem>>, vector<1x16xi32>
      tpu.vector_store %arg16[%swap3A_314, %swap3A_315], %convert_element_type3A_313 {strides = array<i32>} : memref<1x16xi32, #tpu.memory_space<vmem>>, vector<1x16xi32>,
      %reduce_sum3A_317 = arith.constant dense<0.000000e+00> : vector<1xf32>
      %reduce_sum3A_318 = vector.multi_reduction <add>, %floor3A, %reduce_sum3A_317 [0] : vector<8x1xf32> to vector<1xf32>
      %broadcast_in_dim3A_319 = vector.shape_cast %reduce_sum3A_318 : vector<1xf32> to vector<1x1xf32>
      %iota3A_320 = tpu.iota {dimensions = array<i32: 1>} : vector<1x16xi32>
      %convert_element_type3A_321 = arith.sitofp %iota3A_320 : vector<1x16xi32> to vector<1x16xf32>
      %sub3A_322 = arith.constant 1.000000e+00 : f32
      %sub3A_323 = vector.broadcast %sub3A_322 : f32 to vector<1x1xf32>
      %sub3A_324 = arith.subf %broadcast_in_dim3A_319, %sub3A_323 : vector<1x1xf32>
      %min3A_325 = vector.broadcast %sub3A_324 : vector<1x1xf32> to vector<1x16xf32>
      %min3A_326 = arith.minimumf %convert_element_type3A_321, %min3A_325 : vector<1x16xf32>
      %convert_element_type3A_327 = arith.fptosi %min3A_326 : vector<1x16xf32> to vector<1x16xi32>
      %swap3A_328 = arith.constant 0 : index
      %swap3A_329 = arith.constant 0 : index
      %swap3A_330 = vector.load %arg17[%swap3A_328, %swap3A_329] : memref<1x16xi32, #tpu.memory_space<vmem>>, vector<1x16xi32>
      tpu.vector_store %arg17[%swap3A_328, %swap3A_329], %convert_element_type3A_327 {strides = array<i32>} : memref<1x16xi32, #tpu.memory_space<vmem>>, vector<1x16xi32>,
      %get3A_331 = arith.constant 0 : index
      %get3A_332 = arith.constant 0 : index
      %get3A_333 = vector.load %arg22[%get3A_331, %get3A_332] : memref<4x512xf32, #tpu.memory_space<vmem>>, vector<4x512xf32>
      %get3A_334 = arith.constant 0 : index
      %get3A_335 = arith.constant 0 : index
      %get3A_336 = vector.load %arg21[%get3A_334, %get3A_335] : memref<4x512xi32, #tpu.memory_space<vmem>>, vector<4x512xi32>
      %iota3A_337 = tpu.iota {dimensions = array<i32: 1>} : vector<1x8xi32>
      %eq3A_338 = arith.constant 0 : i32
      %eq3A_339 = vector.broadcast %eq3A_338 : i32 to vector<1x8xi32>
      %eq3A_340 = arith.cmpi eq, %iota3A_337, %eq3A_339 : vector<1x8xi32>
      %convert_element_type3A_341 = arith.extui %eq3A_340 : vector<1x8xi1> to vector<1x8xi32>
      %convert_element_type3A_342 = arith.sitofp %convert_element_type3A_341 : vector<1x8xi32> to vector<1x8xf32>
      %dot_general3A_343 = arith.constant dense<0.000000e+00> : vector<1x1xf32>
      %dot_general3A_344 = tpu.matmul %convert_element_type3A_342, %mul3A_295, %dot_general3A_343 {dimension_numbers = #tpu.dot_dimension_numbers<[1], [0], [0], [1], [0, 0, 1, 1], [], []>, transpose_lhs_hint = false} : vector<1x8xf32>, vector<8x1xf32>, vector<1x1xf32> -> vector<1x1xf32>
      %eq3A_345 = arith.constant 0 : i32
      %eq3A_346 = vector.broadcast %eq3A_345 : i32 to vector<4x512xi32>
      %eq3A_347 = arith.cmpi eq, %get3A_336, %eq3A_346 : vector<4x512xi32>
      %jit3A_348 = arith.constant 0.000000e+00 : f32
      %broadcast_in_dim3A_349 = vector.shape_cast %dot_general3A_344 : vector<1x1xf32> to vector<1x1xf32>
      %broadcast_in_dim3A_350 = vector.broadcast %broadcast_in_dim3A_349 : vector<1x1xf32> to vector<4x512xf32>
      %broadcast_in_dim3A_351 = vector.broadcast %jit3A_348 : f32 to vector<4x512xf32>
      %select_n3A_352 = arith.select %eq3A_347, %broadcast_in_dim3A_350, %broadcast_in_dim3A_351 : vector<4x512xi1>, vector<4x512xf32>
      %add3A_353 = arith.addf %get3A_333, %select_n3A_352 : vector<4x512xf32>
      %eq3A_354 = arith.constant 1 : i32
      %eq3A_355 = vector.broadcast %eq3A_354 : i32 to vector<1x8xi32>
      %eq3A_356 = arith.cmpi eq, %iota3A_337, %eq3A_355 : vector<1x8xi32>
      %convert_element_type3A_357 = arith.extui %eq3A_356 : vector<1x8xi1> to vector<1x8xi32>
      %convert_element_type3A_358 = arith.sitofp %convert_element_type3A_357 : vector<1x8xi32> to vector<1x8xf32>
      %dot_general3A_359 = arith.constant dense<0.000000e+00> : vector<1x1xf32>
      %dot_general3A_360 = tpu.matmul %convert_element_type3A_358, %mul3A_295, %dot_general3A_359 {dimension_numbers = #tpu.dot_dimension_numbers<[1], [0], [0], [1], [0, 0, 1, 1], [], []>, transpose_lhs_hint = false} : vector<1x8xf32>, vector<8x1xf32>, vector<1x1xf32> -> vector<1x1xf32>
      %eq3A_361 = arith.constant 1 : i32
      %eq3A_362 = vector.broadcast %eq3A_361 : i32 to vector<4x512xi32>
      %eq3A_363 = arith.cmpi eq, %get3A_336, %eq3A_362 : vector<4x512xi32>
      %jit3A_364 = arith.constant 0.000000e+00 : f32
      %broadcast_in_dim3A_365 = vector.shape_cast %dot_general3A_360 : vector<1x1xf32> to vector<1x1xf32>
      %broadcast_in_dim3A_366 = vector.broadcast %broadcast_in_dim3A_365 : vector<1x1xf32> to vector<4x512xf32>
      %broadcast_in_dim3A_367 = vector.broadcast %jit3A_364 : f32 to vector<4x512xf32>
      %select_n3A_368 = arith.select %eq3A_363, %broadcast_in_dim3A_366, %broadcast_in_dim3A_367 : vector<4x512xi1>, vector<4x512xf32>
      %add3A_369 = arith.addf %add3A_353, %select_n3A_368 : vector<4x512xf32>
      %eq3A_370 = arith.constant 2 : i32
      %eq3A_371 = vector.broadcast %eq3A_370 : i32 to vector<1x8xi32>
      %eq3A_372 = arith.cmpi eq, %iota3A_337, %eq3A_371 : vector<1x8xi32>
      %convert_element_type3A_373 = arith.extui %eq3A_372 : vector<1x8xi1> to vector<1x8xi32>
      %convert_element_type3A_374 = arith.sitofp %convert_element_type3A_373 : vector<1x8xi32> to vector<1x8xf32>
      %dot_general3A_375 = arith.constant dense<0.000000e+00> : vector<1x1xf32>
      %dot_general3A_376 = tpu.matmul %convert_element_type3A_374, %mul3A_295, %dot_general3A_375 {dimension_numbers = #tpu.dot_dimension_numbers<[1], [0], [0], [1], [0, 0, 1, 1], [], []>, transpose_lhs_hint = false} : vector<1x8xf32>, vector<8x1xf32>, vector<1x1xf32> -> vector<1x1xf32>
      %eq3A_377 = arith.constant 2 : i32
      %eq3A_378 = vector.broadcast %eq3A_377 : i32 to vector<4x512xi32>
      %eq3A_379 = arith.cmpi eq, %get3A_336, %eq3A_378 : vector<4x512xi32>
      %jit3A_380 = arith.constant 0.000000e+00 : f32
      %broadcast_in_dim3A_381 = vector.shape_cast %dot_general3A_376 : vector<1x1xf32> to vector<1x1xf32>
      %broadcast_in_dim3A_382 = vector.broadcast %broadcast_in_dim3A_381 : vector<1x1xf32> to vector<4x512xf32>
      %broadcast_in_dim3A_383 = vector.broadcast %jit3A_380 : f32 to vector<4x512xf32>
      %select_n3A_384 = arith.select %eq3A_379, %broadcast_in_dim3A_382, %broadcast_in_dim3A_383 : vector<4x512xi1>, vector<4x512xf32>
      %add3A_385 = arith.addf %add3A_369, %select_n3A_384 : vector<4x512xf32>
      %eq3A_386 = arith.constant 3 : i32
      %eq3A_387 = vector.broadcast %eq3A_386 : i32 to vector<1x8xi32>
      %eq3A_388 = arith.cmpi eq, %iota3A_337, %eq3A_387 : vector<1x8xi32>
      %convert_element_type3A_389 = arith.extui %eq3A_388 : vector<1x8xi1> to vector<1x8xi32>
      %convert_element_type3A_390 = arith.sitofp %convert_element_type3A_389 : vector<1x8xi32> to vector<1x8xf32>
      %dot_general3A_391 = arith.constant dense<0.000000e+00> : vector<1x1xf32>
      %dot_general3A_392 = tpu.matmul %convert_element_type3A_390, %mul3A_295, %dot_general3A_391 {dimension_numbers = #tpu.dot_dimension_numbers<[1], [0], [0], [1], [0, 0, 1, 1], [], []>, transpose_lhs_hint = false} : vector<1x8xf32>, vector<8x1xf32>, vector<1x1xf32> -> vector<1x1xf32>
      %eq3A_393 = arith.constant 3 : i32
      %eq3A_394 = vector.broadcast %eq3A_393 : i32 to vector<4x512xi32>
      %eq3A_395 = arith.cmpi eq, %get3A_336, %eq3A_394 : vector<4x512xi32>
      %jit3A_396 = arith.constant 0.000000e+00 : f32
      %broadcast_in_dim3A_397 = vector.shape_cast %dot_general3A_392 : vector<1x1xf32> to vector<1x1xf32>
      %broadcast_in_dim3A_398 = vector.broadcast %broadcast_in_dim3A_397 : vector<1x1xf32> to vector<4x512xf32>
      %broadcast_in_dim3A_399 = vector.broadcast %jit3A_396 : f32 to vector<4x512xf32>
      %select_n3A_400 = arith.select %eq3A_395, %broadcast_in_dim3A_398, %broadcast_in_dim3A_399 : vector<4x512xi1>, vector<4x512xf32>
      %add3A_401 = arith.addf %add3A_385, %select_n3A_400 : vector<4x512xf32>
      %eq3A_402 = arith.constant 4 : i32
      %eq3A_403 = vector.broadcast %eq3A_402 : i32 to vector<1x8xi32>
      %eq3A_404 = arith.cmpi eq, %iota3A_337, %eq3A_403 : vector<1x8xi32>
      %convert_element_type3A_405 = arith.extui %eq3A_404 : vector<1x8xi1> to vector<1x8xi32>
      %convert_element_type3A_406 = arith.sitofp %convert_element_type3A_405 : vector<1x8xi32> to vector<1x8xf32>
      %dot_general3A_407 = arith.constant dense<0.000000e+00> : vector<1x1xf32>
      %dot_general3A_408 = tpu.matmul %convert_element_type3A_406, %mul3A_295, %dot_general3A_407 {dimension_numbers = #tpu.dot_dimension_numbers<[1], [0], [0], [1], [0, 0, 1, 1], [], []>, transpose_lhs_hint = false} : vector<1x8xf32>, vector<8x1xf32>, vector<1x1xf32> -> vector<1x1xf32>
      %eq3A_409 = arith.constant 4 : i32
      %eq3A_410 = vector.broadcast %eq3A_409 : i32 to vector<4x512xi32>
      %eq3A_411 = arith.cmpi eq, %get3A_336, %eq3A_410 : vector<4x512xi32>
      %jit3A_412 = arith.constant 0.000000e+00 : f32
      %broadcast_in_dim3A_413 = vector.shape_cast %dot_general3A_408 : vector<1x1xf32> to vector<1x1xf32>
      %broadcast_in_dim3A_414 = vector.broadcast %broadcast_in_dim3A_413 : vector<1x1xf32> to vector<4x512xf32>
      %broadcast_in_dim3A_415 = vector.broadcast %jit3A_412 : f32 to vector<4x512xf32>
      %select_n3A_416 = arith.select %eq3A_411, %broadcast_in_dim3A_414, %broadcast_in_dim3A_415 : vector<4x512xi1>, vector<4x512xf32>
      %add3A_417 = arith.addf %add3A_401, %select_n3A_416 : vector<4x512xf32>
      %eq3A_418 = arith.constant 5 : i32
      %eq3A_419 = vector.broadcast %eq3A_418 : i32 to vector<1x8xi32>
      %eq3A_420 = arith.cmpi eq, %iota3A_337, %eq3A_419 : vector<1x8xi32>
      %convert_element_type3A_421 = arith.extui %eq3A_420 : vector<1x8xi1> to vector<1x8xi32>
      %convert_element_type3A_422 = arith.sitofp %convert_element_type3A_421 : vector<1x8xi32> to vector<1x8xf32>
      %dot_general3A_423 = arith.constant dense<0.000000e+00> : vector<1x1xf32>
      %dot_general3A_424 = tpu.matmul %convert_element_type3A_422, %mul3A_295, %dot_general3A_423 {dimension_numbers = #tpu.dot_dimension_numbers<[1], [0], [0], [1], [0, 0, 1, 1], [], []>, transpose_lhs_hint = false} : vector<1x8xf32>, vector<8x1xf32>, vector<1x1xf32> -> vector<1x1xf32>
      %eq3A_425 = arith.constant 5 : i32
      %eq3A_426 = vector.broadcast %eq3A_425 : i32 to vector<4x512xi32>
      %eq3A_427 = arith.cmpi eq, %get3A_336, %eq3A_426 : vector<4x512xi32>
      %jit3A_428 = arith.constant 0.000000e+00 : f32
      %broadcast_in_dim3A_429 = vector.shape_cast %dot_general3A_424 : vector<1x1xf32> to vector<1x1xf32>
      %broadcast_in_dim3A_430 = vector.broadcast %broadcast_in_dim3A_429 : vector<1x1xf32> to vector<4x512xf32>
      %broadcast_in_dim3A_431 = vector.broadcast %jit3A_428 : f32 to vector<4x512xf32>
      %select_n3A_432 = arith.select %eq3A_427, %broadcast_in_dim3A_430, %broadcast_in_dim3A_431 : vector<4x512xi1>, vector<4x512xf32>
      %add3A_433 = arith.addf %add3A_417, %select_n3A_432 : vector<4x512xf32>
      %eq3A_434 = arith.constant 6 : i32
      %eq3A_435 = vector.broadcast %eq3A_434 : i32 to vector<1x8xi32>
      %eq3A_436 = arith.cmpi eq, %iota3A_337, %eq3A_435 : vector<1x8xi32>
      %convert_element_type3A_437 = arith.extui %eq3A_436 : vector<1x8xi1> to vector<1x8xi32>
      %convert_element_type3A_438 = arith.sitofp %convert_element_type3A_437 : vector<1x8xi32> to vector<1x8xf32>
      %dot_general3A_439 = arith.constant dense<0.000000e+00> : vector<1x1xf32>
      %dot_general3A_440 = tpu.matmul %convert_element_type3A_438, %mul3A_295, %dot_general3A_439 {dimension_numbers = #tpu.dot_dimension_numbers<[1], [0], [0], [1], [0, 0, 1, 1], [], []>, transpose_lhs_hint = false} : vector<1x8xf32>, vector<8x1xf32>, vector<1x1xf32> -> vector<1x1xf32>
      %eq3A_441 = arith.constant 6 : i32
      %eq3A_442 = vector.broadcast %eq3A_441 : i32 to vector<4x512xi32>
      %eq3A_443 = arith.cmpi eq, %get3A_336, %eq3A_442 : vector<4x512xi32>
      %jit3A_444 = arith.constant 0.000000e+00 : f32
      %broadcast_in_dim3A_445 = vector.shape_cast %dot_general3A_440 : vector<1x1xf32> to vector<1x1xf32>
      %broadcast_in_dim3A_446 = vector.broadcast %broadcast_in_dim3A_445 : vector<1x1xf32> to vector<4x512xf32>
      %broadcast_in_dim3A_447 = vector.broadcast %jit3A_444 : f32 to vector<4x512xf32>
      %select_n3A_448 = arith.select %eq3A_443, %broadcast_in_dim3A_446, %broadcast_in_dim3A_447 : vector<4x512xi1>, vector<4x512xf32>
      %add3A_449 = arith.addf %add3A_433, %select_n3A_448 : vector<4x512xf32>
      %eq3A_450 = arith.constant 7 : i32
      %eq3A_451 = vector.broadcast %eq3A_450 : i32 to vector<1x8xi32>
      %eq3A_452 = arith.cmpi eq, %iota3A_337, %eq3A_451 : vector<1x8xi32>
      %convert_element_type3A_453 = arith.extui %eq3A_452 : vector<1x8xi1> to vector<1x8xi32>
      %convert_element_type3A_454 = arith.sitofp %convert_element_type3A_453 : vector<1x8xi32> to vector<1x8xf32>
      %dot_general3A_455 = arith.constant dense<0.000000e+00> : vector<1x1xf32>
      %dot_general3A_456 = tpu.matmul %convert_element_type3A_454, %mul3A_295, %dot_general3A_455 {dimension_numbers = #tpu.dot_dimension_numbers<[1], [0], [0], [1], [0, 0, 1, 1], [], []>, transpose_lhs_hint = false} : vector<1x8xf32>, vector<8x1xf32>, vector<1x1xf32> -> vector<1x1xf32>
      %eq3A_457 = arith.constant 7 : i32
      %eq3A_458 = vector.broadcast %eq3A_457 : i32 to vector<4x512xi32>
      %eq3A_459 = arith.cmpi eq, %get3A_336, %eq3A_458 : vector<4x512xi32>
      %jit3A_460 = arith.constant 0.000000e+00 : f32
      %broadcast_in_dim3A_461 = vector.shape_cast %dot_general3A_456 : vector<1x1xf32> to vector<1x1xf32>
      %broadcast_in_dim3A_462 = vector.broadcast %broadcast_in_dim3A_461 : vector<1x1xf32> to vector<4x512xf32>
      %broadcast_in_dim3A_463 = vector.broadcast %jit3A_460 : f32 to vector<4x512xf32>
      %select_n3A_464 = arith.select %eq3A_459, %broadcast_in_dim3A_462, %broadcast_in_dim3A_463 : vector<4x512xi1>, vector<4x512xf32>
      %add3A_465 = arith.addf %add3A_449, %select_n3A_464 : vector<4x512xf32>
      %convert_element_type3A_466 = arith.fptosi %add3A_465 : vector<4x512xf32> to vector<4x512xi32>
      %swap3A_467 = arith.constant 0 : index
      %swap3A_468 = arith.constant 0 : index
      %swap3A_469 = vector.load %arg14[%swap3A_467, %swap3A_468] : memref<4x512xi32, #tpu.memory_space<vmem>>, vector<4x512xi32>
      tpu.vector_store %arg14[%swap3A_467, %swap3A_468], %convert_element_type3A_466 {strides = array<i32>} : memref<4x512xi32, #tpu.memory_space<vmem>>, vector<4x512xi32>,
      %get3A_470 = arith.constant 0 : index
      %get3A_471 = arith.constant 0 : index
      %get3A_472 = vector.load %arg19[%get3A_470, %get3A_471] : memref<1x8xf32, #tpu.memory_space<vmem>>, vector<1x8xf32>
      %get3A_473 = arith.constant 0 : index
      %get3A_474 = arith.constant 0 : index
      %get3A_475 = vector.load %arg20[%get3A_473, %get3A_474] : memref<1x8xf32, #tpu.memory_space<vmem>>, vector<1x8xf32>
      %mul3A_476 = arith.mulf %get3A_472, %get3A_475 : vector<1x8xf32>
      %reduce_sum3A_477 = arith.constant dense<0.000000e+00> : vector<1xf32>
      %reduce_sum3A_478 = vector.multi_reduction <add>, %mul3A_476, %reduce_sum3A_477 [1] : vector<1x8xf32> to vector<1xf32>
      %broadcast_in_dim3A_479 = vector.shape_cast %reduce_sum3A_478 : vector<1xf32> to vector<1x1xf32>
      %mul3A_480 = arith.constant 1.90734863E-6 : f32
      %mul3A_481 = vector.broadcast %mul3A_480 : f32 to vector<1x1xf32>
      %mul3A_482 = arith.mulf %mul3A_481, %broadcast_in_dim3A_479 : vector<1x1xf32>
      %swap3A_483 = arith.constant 0 : index
      %swap3A_484 = arith.constant 0 : index
      %swap3A_485 = vector.load %arg18[%swap3A_483, %swap3A_484] : memref<1x1xf32, #tpu.memory_space<vmem>>, vector<1x1xf32>
      tpu.vector_store %arg18[%swap3A_483, %swap3A_484], %mul3A_482 {strides = array<i32>} : memref<1x1xf32, #tpu.memory_space<vmem>>, vector<1x1xf32>,
    } else {
    }
    return
  }
  func.func @transform_0(%arg0: i32) -> (i32, i32, i32) {
    %c0_i32 = arith.constant 0 : i32
    %c0_i32_0 = arith.constant 0 : i32
    %c0_i32_1 = arith.constant 0 : i32
    return %arg0, %c0_i32, %c0_i32_0 : i32, i32, i32
  }
  func.func @transform_1(%arg0: i32) -> (i32, i32, i32) {
    %c0_i32 = arith.constant 0 : i32
    %c0_i32_0 = arith.constant 0 : i32
    %c0_i32_1 = arith.constant 0 : i32
    return %arg0, %c0_i32, %c0_i32_0 : i32, i32, i32
  }
  func.func @transform_2(%arg0: i32) -> (i32, i32, i32) {
    %c0_i32 = arith.constant 0 : i32
    %c0_i32_0 = arith.constant 0 : i32
    %c0_i32_1 = arith.constant 0 : i32
    return %arg0, %c0_i32, %c0_i32_0 : i32, i32, i32
  }
  func.func @transform_3(%arg0: i32) -> (i32, i32) {
    %c0_i32 = arith.constant 0 : i32
    %c0_i32_0 = arith.constant 0 : i32
    %c0_i32_1 = arith.constant 0 : i32
    return %c0_i32, %c0_i32_0 : i32, i32
  }
  func.func @transform_4(%arg0: i32) -> (i32, i32) {
    %c0_i32 = arith.constant 0 : i32
    %c0_i32_0 = arith.constant 0 : i32
    %c0_i32_1 = arith.constant 0 : i32
    return %c0_i32, %c0_i32_0 : i32, i32
  }
  func.func @transform_5(%arg0: i32) -> (i32, i32) {
    %c0_i32 = arith.constant 0 : i32
    %c0_i32_0 = arith.constant 0 : i32
    %c0_i32_1 = arith.constant 0 : i32
    return %c0_i32, %c0_i32_0 : i32, i32
  }
  func.func @transform_6(%arg0: i32) -> (i32, i32) {
    %c0_i32 = arith.constant 0 : i32
    %c0_i32_0 = arith.constant 0 : i32
    %c0_i32_1 = arith.constant 0 : i32
    return %c0_i32, %c0_i32_0 : i32, i32
  }
  func.func @transform_7(%arg0: i32) -> (i32, i32) {
    %c0_i32 = arith.constant 0 : i32
    %c0_i32_0 = arith.constant 0 : i32
    %c0_i32_1 = arith.constant 0 : i32
    return %c0_i32, %c0_i32_0 : i32, i32
  }
  func.func @transform_8(%arg0: i32) -> (i32, i32) {
    %c0_i32 = arith.constant 0 : i32
    %c0_i32_0 = arith.constant 0 : i32
    %c0_i32_1 = arith.constant 0 : i32
    return %c0_i32, %c0_i32_0 : i32, i32
  }
  func.func @transform_9(%arg0: i32) -> (i32, i32) {
    %c0_i32 = arith.constant 0 : i32
    %c0_i32_0 = arith.constant 0 : i32
    %c0_i32_1 = arith.constant 0 : i32
    return %c0_i32, %c0_i32_0 : i32, i32
  }
  func.func @transform_10(%arg0: i32) -> (i32, i32) {
    %c0_i32 = arith.constant 0 : i32
    %c0_i32_0 = arith.constant 0 : i32
    return %arg0, %c0_i32 : i32, i32
  }
  func.func @transform_11(%arg0: i32) -> (i32, i32) {
    %c0_i32 = arith.constant 0 : i32
    %c0_i32_0 = arith.constant 0 : i32
    %c0_i32_1 = arith.constant 0 : i32
    return %c0_i32, %c0_i32_0 : i32, i32
  }
  func.func @transform_12(%arg0: i32) -> (i32, i32, i32) {
    %c0_i32 = arith.constant 0 : i32
    %c0_i32_0 = arith.constant 0 : i32
    %c0_i32_1 = arith.constant 0 : i32
    return %arg0, %c0_i32, %c0_i32_0 : i32, i32, i32
  }
  func.func @transform_13(%arg0: i32) -> (i32, i32) {
    %c0_i32 = arith.constant 0 : i32
    %c0_i32_0 = arith.constant 0 : i32
    %c0_i32_1 = arith.constant 0 : i32
    return %c0_i32, %c0_i32_0 : i32, i32
  }
  func.func @transform_14(%arg0: i32) -> (i32, i32) {
    %c0_i32 = arith.constant 0 : i32
    %c0_i32_0 = arith.constant 0 : i32
    %c0_i32_1 = arith.constant 0 : i32
    return %c0_i32, %c0_i32_0 : i32, i32
  }
  func.func @transform_15(%arg0: i32) -> (i32, i32) {
    %c0_i32 = arith.constant 0 : i32
    %c0_i32_0 = arith.constant 0 : i32
    %c0_i32_1 = arith.constant 0 : i32
    return %c0_i32, %c0_i32_0 : i32, i32
  }
  func.func @transform_16(%arg0: i32) -> (i32, i32) {
    %c0_i32 = arith.constant 0 : i32
    %c0_i32_0 = arith.constant 0 : i32
    %c0_i32_1 = arith.constant 0 : i32
    return %c0_i32, %c0_i32_0 : i32, i32
  }
  func.func @transform_17(%arg0: i32) -> (i32, i32) {
    %c0_i32 = arith.constant 0 : i32
    %c0_i32_0 = arith.constant 0 : i32
    %c0_i32_1 = arith.constant 0 : i32
    return %c0_i32, %c0_i32_0 : i32, i32
  }
}

</mosaic_0001>

<sc_bundles>
// kernel: kernel.10.cloned.1.call-start
scs
__scs_entry_jumppad:
0x0: {  	(pc) =	sbr.rel $0x88, $3  }
0x1: {  	(tag) =	ssettag $0x0;
	lr =	simm.s32 $0x1  }
0x2: {  	[smem:$0x3F8D] =	sst lr;
	_ =	strace $0xD0000000  }
0x3: {  	_ = 	snop  }
0x4: {  	_ = 	snop  }
0x5: {  	_ = 	snop  }
0x6: {  	_ = 	snop  }
0x7: {  	_ = 	snop  }
__scs_overlays_trampoline_lowered:
0x8: {  	[smem:$0x3F9C] =	sst s0  }
0x9: {  	[smem:$0x3F9D] =	sst s1  }
0xa: {  	[smem:$0x3F9E] =	sst s2  }
0xb: {  	[smem:$0x3F9F] =	sst s3  }
0xc: {  	[smem:$0x3FA0] =	sst s4  }
0xd: {  	[smem:$0x3FA1] =	sst s5  }
0xe: {  	[smem:$0x3FA2] =	sst s6  }
0xf: {  	[smem:$0x3FA3] =	sst s7  }
0x10: {  	[smem:$0x3FA4] =	sst s8  }
0x11: {  	[smem:$0x3FA5] =	sst s9;
	s0 =	simm.s32 @!p0 $0x0  }
0x12: {  	s1 =	sld [smem:$0x3F8B];
	s0 =	simm.s32 @p0 $0x1  }
0x13: {  	[smem:$0x3FA6] =	sst s0;
	s0 =	simm.s32 @!p1 $0x0  }
0x14: {  	s2 =	sld [smem:$0x3F8A];
	s0 =	simm.s32 @p1 $0x1  }
0x15: {  	[smem:$0x3FA7] =	sst s0;
	s0 =	simm.s32 @!p2 $0x0  }
0x16: {  	s3 =	sld [smem:$0x3FDB];
	s0 =	simm.s32 @p2 $0x1  }
0x17: {  	s4 =	simm.s32 $0x1BF5;
	[smem:$0x3FA9] =	sst s0  }
0x18: {  	s0 =	sld [smem:$0x3F8C];
	_ =	swait.ge [sflag:s4], $0x0  }
0x19: {  	s7 =	sld [smem:$0x3F8D]  }
0x1a: {  	s8 =	sadd.s32 $0xFFFFE003, lr  }
0x1b: {  	s9 =	sadd.s32 $0xFFFFFEF7, lr;
	s5 =	simm.s32 $0xFFFFFFFF;
	p2 =	slt.u32 s8, $0xFFFFF086  }
0x1c: {  	p1 =	slt.u32 s9, $0xF7A;
	s5 =	simm.s32 @!p2 $0x0  }
0x1d: {  	s5 =	simm.s32 @p1 $0x1;
	p0 =	seq.s32 s7, s2  }
0x1e: {  	s7 =	smul.u32 @!p0 $0xF7A, s2;
	p2 =	seq.s32 @!p0 s5, $0x0  }
0x1f: {  	s9 =	smul.u32 $0xF7A, s1;
	s8 =	simm.s32 @!p0 $0x1BF5;
	p2 =	por !p2, p0  }
0x20: {  	[sflag:s8] =	ssyncset.s32 @!p0 $0xFFFFF086;
	s6 =	sadd.s32 @!p0 s3, s7;
	s7 =	simm.s32 @!p0 $0x108  }
0x21: {  	s3 =	sadd.s32 s3, s9;
	s6 =	sadd.s32 @!p0 $0x88, s6;
	s7 =	simm.s32 @p2 $0x1082  }
0x22: {  	[simem:s7], [sflag:s8] =	dma.local @!p0 [hbm:s6], $0xF7A  }
0x23: {  	s9 =	sor.u32 $0xD0000000, s2;
	s6 =	simm.s32 $0x108;
	_ =	swait.ge @!p0 [sflag:s8], $0x0  }
0x24: {  	s3 =	sadd.s32 $0x88, s3;
	s6 =	simm.s32 @!p1 $0x1082;
	[sflag:s4] =	ssyncset.s32 $0xFFFFF086  }
0x25: {  	[simem:s6], [sflag:s4] =	dma.local [hbm:s3], $0xF7A  }
0x26: {  	[smem:$0x3F8D] =	sst s1;
	(tag) =	ssettag s2;
	_ =	strace s9  }
0x27: {  	s1 =	sld [smem:$0x3F9D]  }
0x28: {  	s2 =	sld [smem:$0x3F9E]  }
0x29: {  	s4 =	sld [smem:$0x3FA0]  }
0x2a: {  	p0 =	seq.s32 s5, $0x0;
	s5 =	sld [smem:$0x3FA1]  }
0x2b: {  	s6 =	sld [smem:$0x3FA2]  }
0x2c: {  	s7 =	sld [smem:$0x3FA3]  }
0x2d: {  	s3 =	simm.s32 $0x108;
	s8 =	sld [smem:$0x3FA4]  }
0x2e: {  	s3 =	simm.s32 @!p0 $0x1082;
	s9 =	sld [smem:$0x3FA5]  }
0x2f: {  	lr =	sadd.s32 s0, s3;
	s0 =	sld [smem:$0x3F9C]  }
0x30: {  	s3 =	sld [smem:$0x3F9F]  }
0x31: {  	[smem:$0x3FA8] =	sst s10  }
0x32: {  	s10 =	sld [smem:$0x3FA6];
	_ =	sdelay $0x3  }
0x33: {  	p0 =	seq.s32 s10, $0x1;
	s10 =	sld [smem:$0x3FA8];
	_ =	sdelay $0x3  }
0x34: {  	[smem:$0x3FA8] =	sst s10  }
0x35: {  	s10 =	sld [smem:$0x3FA7];
	_ =	sdelay $0x3  }
0x36: {  	p1 =	seq.s32 s10, $0x1;
	s10 =	sld [smem:$0x3FA8];
	_ =	sdelay $0x3  }
0x37: {  	[smem:$0x3FA8] =	sst s10  }
0x38: {  	s10 =	sld [smem:$0x3FA9]  }
0x39: {  	_ = 	snop;
	(pc) =	sbr.ind lr, $3  }
0x3a: {  	_ = 	snop  }
0x3b: {  	_ = 	snop  }
0x3c: {  	p2 =	seq.s32 s10, $0x1;
	s10 =	sld [smem:$0x3FA8]  }
0x3d: {  	_ =	shalt  }
0x3e: {  	_ =	shalt  }
0x3f: {  	_ =	shalt  }
0x40: {  	_ =	shalt  }
0x41: {  	_ =	shalt  }
0x42: {  	_ =	shalt  }
0x43: {  	_ =	shalt  }
0x44: {  	_ =	shalt  }
0x45: {  	_ =	shalt  }
0x46: {  	_ =	shalt  }
0x47: {  	_ =	shalt  }
0x48: {  	_ =	shalt  }
0x49: {  	_ =	shalt  }
0x4a: {  	_ =	shalt  }
0x4b: {  	_ =	shalt  }
0x4c: {  	_ =	shalt  }
0x4d: {  	_ =	shalt  }
0x4e: {  	_ =	shalt  }
0x4f: {  	_ =	shalt  }
0x50: {  	_ =	shalt  }
0x51: {  	_ =	shalt  }
0x52: {  	_ =	shalt  }
0x53: {  	_ =	shalt  }
0x54: {  	_ =	shalt  }
0x55: {  	_ =	shalt  }
0x56: {  	_ =	shalt  }
0x57: {  	_ =	shalt  }
0x58: {  	_ =	shalt  }
0x59: {  	_ =	shalt  }
0x5a: {  	_ =	shalt  }
0x5b: {  	_ =	shalt  }
0x5c: {  	_ =	shalt  }
0x5d: {  	_ =	shalt  }
0x5e: {  	_ =	shalt  }
0x5f: {  	_ =	shalt  }
0x60: {  	_ =	shalt  }
0x61: {  	_ =	shalt  }
0x62: {  	_ =	shalt  }
0x63: {  	_ =	shalt  }
0x64: {  	_ =	shalt  }
0x65: {  	_ =	shalt  }
0x66: {  	_ =	shalt  }
0x67: {  	_ =	shalt  }
0x68: {  	_ =	shalt  }
0x69: {  	_ =	shalt  }
0x6a: {  	_ =	shalt  }
0x6b: {  	_ =	shalt  }
0x6c: {  	_ =	shalt  }
0x6d: {  	_ =	shalt  }
0x6e: {  	_ =	shalt  }
0x6f: {  	_ =	shalt  }
0x70: {  	_ =	shalt  }
0x71: {  	_ =	shalt  }
0x72: {  	_ =	shalt  }
0x73: {  	_ =	shalt  }
0x74: {  	_ =	shalt  }
0x75: {  	_ =	shalt  }
0x76: {  	_ =	shalt  }
0x77: {  	_ =	shalt  }
0x78: {  	_ =	shalt  }
0x79: {  	_ =	shalt  }
0x7a: {  	_ =	shalt  }
0x7b: {  	_ =	shalt  }
0x7c: {  	_ =	shalt  }
0x7d: {  	_ =	shalt  }
0x7e: {  	_ =	shalt  }
0x7f: {  	_ =	shalt  }
0x80: {  	_ =	shalt  }
0x81: {  	_ =	shalt  }
0x82: {  	_ =	shalt  }
0x83: {  	_ =	shalt  }
0x84: {  	_ =	shalt  }
0x85: {  	_ =	shalt  }
0x86: {  	_ =	shalt  }
0x87: {  	_ =	shalt  }
.Lfunc_end0:
.L_simem_size_0:
called_computation.1_lowered:
.L_overlay_start_0:
0x88: {  	s2 =	sld [smem:$0x3FD9]  }
0x89: {  	s3 =	sld [smem:$0x3FFE];
	_ =	sdelay $0x1  }
0x8a: {  	s1 =	srdreg.scid  }
0x8b: {  	s0 =	sand.u32 $0x1, s1  }
0x8c: {  	s14 =	sshll.u32 s0, $0xA;
	s2 =	sadd.s32 s3, s2  }
0x8d: {  	s2 =	sadd.s32 s2, s14  }
0x8e: {  	[smem:$0x3FB4] =	sst s2  }
0x8f: {  	_ = 	snop  }
0x90: {  	s2 =	sld [smem:$0x3FD0];
	_ =	sdelay $0x2  }
0x91: {  	s15 =	simm.s32 $0xA;
	s4 =	simm.s32 $0x10  }
0x92: {  	[smem:s4], [sflag:s15] =	dma.local [hbm:s2], $0x1  }
0x93: {  	_ =	swait.eq [sflag:s15], $0x1  }
0x94: {  	[sflag:s15] =	ssyncset.done $0x0  }
0x95: {  	[sflag:s15] =	ssyncadd.s32 $0xFFFFFFFF  }
0x96: {  	s16 =	sld [smem:$0x10];
	(tm) =	ssettm $0x1  }
0x97: {  	s17 =	sld [smem:$0x3FFB];
	_ =	sdelay $0x3  }
0x98: {  	_ =	strace s17  }
0x99: {  	s3 =	sld [smem:$0x3FFC];
	_ =	sdelay $0x3  }
0x9a: {  	_ =	strace s3  }
0x9b: {  	s3 =	sld [smem:$0x3FFD];
	_ =	sdelay $0x3  }
0x9c: {  	_ =	strace s3  }
0x9d: {  	_ =	strace $0x8FFFFFFF  }
0x9e: {  	s18 =	sld [smem:$0x3FDB];
	_ =	sdelay $0x1  }
0x9f: {  	s19 =	simm.s32 $_scs_section_size  }
0xa0: {  	s5 =	simm.s32 $_size__tile_overlayer_lowered;
	s6 =	simm.s32 $_tile_overlayer_lowered  }
0xa1: {  	s22 =	simm.s32 $0x1BFF;
	s21 =	sshll.u32 s6, $0x1;
	s3 =	sadd.s32 s19, s18  }
0xa2: {  	s7 =	simm.s32 $0x0;
	s20 =	sshll.u32 s5, $0x1;
	s5 =	sadd.s32 s21, s3  }
0xa3: {  	[timem:s7], [sflag:s22] =	dma.local [hbm:s5], s20  }
0xa4: {  	_ =	swait.ge [sflag:s22], s20  }
0xa5: {  	s4 =	ssub.s32 $0x0, s20;
	[sflag:s22] =	ssyncset.done $0x0  }
0xa6: {  	[sflag:s22] =	ssyncadd.s32 s4;
	_ =	sdelay $0x1  }
0xa7: {  	s23 =	simm.s32 $0x1B8B  }
0xa8: {  	_ =	swait.ge [sflag:s23], $0x1  }
0xa9: {  	[sflag:s23] =	ssyncset.done $0x0  }
0xaa: {  	s25 =	simm.s32 $0x1B8E;
	s24 =	sld [smem:$0x3FFE];
	[sflag:s23] =	ssyncadd.s32 $0xFFFFFFFF  }
0xab: {  	s26 =	simm.s32 $execute0_lowered;
	[smem:$0x3FD2] =	sst s25  }
0xac: {  	s5 =	sshll.u32 s26, $0x1;
	_ =	strace $0x80000049;
	[dreg:$0x1] =	wrdreg $0xFFFFFFFF  }
0xad: {  	s28 =	simm.s32 $_size_execute0_lowered;
	s3 =	sadd.s32 s3, s5;
	[dreg:$0x0] =	wrdreg $0x0  }
0xae: {  	s5 =	sshll.u32 s28, $0x1;
	[dreg:$0x2] =	wrdreg s3  }
0xaf: {  	[dreg:$0x3] =	wrdreg s5  }
0xb0: {  	[dreg:$0x4] =	wrdreg $0xC0  }
0xb1: {  	_ =	task [dreg:s7], $0x5FFFF  }
0xb2: {  	[dreg:$0x1] =	wrdreg $0xFFFFFFFF  }
0xb3: {  	[dreg:$0x0] =	wrdreg $0x60  }
0xb4: {  	[dreg:$0x2] =	wrdreg s24  }
0xb5: {  	[dreg:$0x3] =	wrdreg s16  }
0xb6: {  	[dreg:$0x4] =	wrdreg $0x9  }
0xb7: {  	_ =	task.clear_ibuf [dreg:s7], $0x5FFFF;
	_ =	strace $0x90000049  }
0xb8: {  	s29 =	simm.s32 $0x9;
	_ =	strace $0x8000004B  }
0xb9: {  	_ =	swait.ge [sflag:s29], $0x1  }
0xba: {  	[sflag:s29] =	ssyncadd.s32 $0xFFFFFFFF  }
0xbb: {  	_ =	strace $0x9000004B  }
0xbc: {  	_ =	sfence  }
0xbd: {  	s30 =	sld [smem:$0x0];
	_ =	sdelay $0x2  }
0xbe: {  	s31 =	sshll.u32 s1, $0xD;
	s1 =	sshrl.u32 s1, $0x2  }
0xbf: {  	s3 =	sand.u32 $0x4000, s31;
	s1 =	sadd.s32 s1, s30  }
0xc0: {  	s0 =	sor.u32 s3, s0;
	s1 =	sshll.u32 s1, $0x11  }
0xc1: {  	s0 =	sor.u32 s1, s0  }
0xc2: {  	s0 =	sadd.s32 $0x8F2B, s0  }
0xc3: {  	[sflag:s0] =	ssyncadd.remote.s32 $0x1  }
0xc4: {  	_ =	sfence.sel $0xFFFF  }
0xc5: {  	[dreg:$0x0] =	wrdreg $0xFFFFFFFF;
	(pc) =	sbr.abs _section_cstart, $3  }
0xc6: {  	[dreg:$0x1] =	wrdreg $0xFFFFFFFF  }
0xc7: {  	_ =	task.clear_ibuf [dreg:s7], $0x2FFFF;
	_ =	strace $0x9FFFFFFF  }
0xc8: {  	(tm) =	ssettm $0x7FFFFFFF  }
0xc9: {  	_ =	shalt  }
tec
execute0_lowered:
.L_overlay_start_1:
0x0: {  	(tag) =	ssettag $0x1  }
0x1: {  	s1 =	srdreg.scid  }
0x2: {  	s6 =	rddreg [dreg:$0x0];
	s0 =	stileid.u32  }
0x3: {  	s3 =	rddreg [dreg:$0x1];
	s2 =	simm.s32 $0x0;
	s18 =	simm.s32 $0x880  }
0x4: {  	s19 =	simm.s32 $0x1080;
	s20 =	simm.s32 $0x1880;
	s22 =	simm.s32 $0x2080  }
0x5: {  	s23 =	simm.s32 $0x2880;
	s7 =	simm.s32 $0x3080;
	s24 =	simm.s32 $0x3880  }
0x6: {  	s8 =	simm.s32 $0x4080;
	s25 =	simm.s32 $0x4880;
	[smem:$0x7FF] =	sst s2  }
0x7: {  	s26 =	simm.s32 $0x5080;
	_ =	strace $0x8000004A;
	[dreg:$0x5] =	wrdreg s18  }
0x8: {  	s9 =	simm.s32 $0x80;
	s11 =	simm.s32 $0x6080;
	[dreg:$0x6] =	wrdreg s19  }
0x9: {  	s12 =	simm.s32 $0x6880;
	s13 =	simm.s32 $0x7080;
	[dreg:$0x7] =	wrdreg s20  }
0xa: {  	s14 =	simm.s32 $0x7880;
	s15 =	simm.s32 $0x8080;
	[dreg:$0x8] =	wrdreg s22  }
0xb: {  	s16 =	simm.s32 $0x8880;
	s28 =	simm.s32 $0xE080;
	[dreg:$0x9] =	wrdreg s23  }
0xc: {  	s29 =	simm.s32 $0xE880;
	s30 =	simm.s32 $0xF080;
	[dreg:$0xa] =	wrdreg s7  }
0xd: {  	s31 =	simm.s32 $0xF880;
	s1 =	sand.u32 $0x1, s1;
	[dreg:$0xb] =	wrdreg s24  }
0xe: {  	s4 =	sshll.u32 s0, $0x7;
	s5 =	sshll.u32 s1, $0x6;
	[dreg:$0xc] =	wrdreg s8  }
0xf: {  	s1 =	ssub.s32 $0x2, s1;
	s8 =	simm.s32 $0x2;
	[dreg:$0xd] =	wrdreg s25  }
0x10: {  	[dreg:$0xe] =	wrdreg s26;
	s18 =	simm.s32 $0x9880;
	s19 =	simm.s32 $0xA080  }
0x11: {  	s20 =	simm.s32 $0xA880;
	s22 =	simm.s32 $0xB880;
	s23 =	simm.s32 $0xC080  }
0x12: {  	s24 =	simm.s32 $0xC880;
	s25 =	simm.s32 $0xD080;
	s4 =	sor.u32 s5, s4  }
0x13: {  	s26 =	simm.s32 $0xD880;
	s21 =	sshrl.u32 s1, $0x1;
	s5 =	sshll.u32 s4, $0x7  }
0x14: {  	s4 =	sshrl.u32 s4, $0x3;
	s1 =	ssub.s32 s1, s21;
	s21 =	simm.s32 $0xB080  }
0x15: {  	s5 =	sadd.s32 s5, s6;
	s3 =	sadd.s32 s3, s4;
	s4 =	sadd.s32 $0x43B00, s6  }
0x16: {  	v2 =	vlaneseq.u32;
	s7 =	smax.u32 s1, $0x1;
	s1 =	simm.s32 $0x1;
	[dreg:$0x3] =	wrdreg s3  }
0x17: {  	vm0 =	vmmov $0xffff;
	v1 =	vshrl.u32 v2, $0x3;
	s17 =	sadd.s32 $0xC3A00, s5;
	s3 =	sadd.s32 $0x43A00, s6;
	s5 =	sadd.s32 $0x43C00, s6  }
0x18: {  	v0 =	vand.u32 $0x7, v2;
	v2 =	vor.u32 $0x8, v2;
	v1 =	vmul.u32 $0x8, v1;
	s6 =	sadd.s32 $0x43D00, s6;
	[dreg:$0x4] =	wrdreg s17;
	s17 =	simm.s32 $0x9080  }
.LBB2_1:
0x19: {  	s0 =	rddreg [dreg:$0x3]  }
0x1a: {  	[tilespmem:s2], [sflag:$0x2] =	stream.linear.gather [hbm4b:s0+s2], $0x40, $0x38;
	[tilespmem:$0x10080] =	vst v63  }
0x1b: {  	_ =	swait.ge [sflag:s8], $0x40  }
0x1c: {  	[sflag:s8] =	ssyncset.done $0x0  }
0x1d: {  	[sflag:s8] =	ssyncadd.s32 $0xFFFFFFC0  }
0x1e: {  	v3 =	vld [tilespmem:$0x0];
	_ =	sdelay $0x4  }
0x1f: {  	v4 =	vshll.u32 v3, $0x3  }
0x20: {  	v3 =	vand.u32 $0x7, v3;
	v4 =	vand.u32 $0xFFFFFFC0, v4  }
0x21: {  	v3 =	vor.u32 v3, v4  }
0x22: {  	v4 =	vperm.xlane v3, v0;
	_ =	sdelay $0x1  }
0x23: {  	v4 =	vadd.s32 v1, v4;
	_ =	sdelay $0x4  }
0x24: {  	[tilespmem:s9], [sflag:$0x1] =	stream.indirect_vreg.gather [hbm4b:s3+s2], $0x80, v4, vm0, $0xb8;
	[tilespmem:$0x10080] =	vst v63  }
0x25: {  	s0 =	rddreg [dreg:$0x5];
	v3 =	vperm.xlane v3, v2  }
0x26: {  	[tilespmem:s0], [sflag:$0x1] =	stream.indirect_vreg.gather [hbm4b:s4+s2], $0x80, v4, vm0, $0xb8;
	[tilespmem:$0x10080] =	vst v63  }
0x27: {  	s10 =	rddreg [dreg:$0x6];
	v3 =	vadd.s32 v1, v3  }
0x28: {  	[tilespmem:s10], [sflag:$0x1] =	stream.indirect_vreg.gather [hbm4b:s5+s2], $0x80, v4, vm0, $0xb8;
	[tilespmem:$0x10080] =	vst v63  }
0x29: {  	s0 =	rddreg [dreg:$0x7]  }
0x2a: {  	[tilespmem:s0], [sflag:$0x1] =	stream.indirect_vreg.gather [hbm4b:s6+s2], $0x80, v4, vm0, $0xb8;
	[tilespmem:$0x10080] =	vst v63  }
0x2b: {  	s10 =	rddreg [dreg:$0x8]  }
0x2c: {  	[tilespmem:s10], [sflag:$0x1] =	stream.indirect_vreg.gather [hbm4b:s3+s2], $0x80, v3, vm0, $0xb8;
	[tilespmem:$0x10080] =	vst v63  }
0x2d: {  	s0 =	rddreg [dreg:$0x9]  }
0x2e: {  	[tilespmem:s0], [sflag:$0x1] =	stream.indirect_vreg.gather [hbm4b:s4+s2], $0x80, v3, vm0, $0xb8;
	[tilespmem:$0x10080] =	vst v63  }
0x2f: {  	s10 =	rddreg [dreg:$0xa]  }
0x30: {  	[tilespmem:s10], [sflag:$0x1] =	stream.indirect_vreg.gather [hbm4b:s5+s2], $0x80, v3, vm0, $0xb8;
	[tilespmem:$0x10080] =	vst v63  }
0x31: {  	s0 =	rddreg [dreg:$0xb]  }
0x32: {  	[tilespmem:s0], [sflag:$0x1] =	stream.indirect_vreg.gather [hbm4b:s6+s2], $0x80, v3, vm0, $0xb8;
	[tilespmem:$0x10080] =	vst v63  }
0x33: {  	v3 =	vld [tilespmem:$0x10];
	_ =	sdelay $0x4  }
0x34: {  	v61 =	vshll.u32 v3, $0x3  }
0x35: {  	v3 =	vand.u32 $0x7, v3;
	v4 =	vand.u32 $0xFFFFFFC0, v61  }
0x36: {  	v3 =	vor.u32 v3, v4  }
0x37: {  	v4 =	vperm.xlane v3, v0;
	_ =	sdelay $0x1  }
0x38: {  	v4 =	vadd.s32 v1, v4;
	_ =	sdelay $0x3  }
0x39: {  	s0 =	rddreg [dreg:$0xc]  }
0x3a: {  	[tilespmem:s0], [sflag:$0x1] =	stream.indirect_vreg.gather [hbm4b:s3+s2], $0x80, v4, vm0, $0xb8;
	[tilespmem:$0x10080] =	vst v63  }
0x3b: {  	s10 =	rddreg [dreg:$0xd];
	v3 =	vperm.xlane v3, v2  }
0x3c: {  	[tilespmem:s10], [sflag:$0x1] =	stream.indirect_vreg.gather [hbm4b:s4+s2], $0x80, v4, vm0, $0xb8;
	[tilespmem:$0x10080] =	vst v63  }
0x3d: {  	v3 =	vadd.s32 v1, v3;
	s0 =	rddreg [dreg:$0xe]  }
0x3e: {  	[tilespmem:s0], [sflag:$0x1] =	stream.indirect_vreg.gather [hbm4b:s5+s2], $0x80, v4, vm0, $0xb8;
	[tilespmem:$0x10080] =	vst v63  }
0x3f: {  	s10 =	simm.s32 $0x5880  }
0x40: {  	[tilespmem:s10], [sflag:$0x1] =	stream.indirect_vreg.gather [hbm4b:s6+s2], $0x80, v4, vm0, $0xb8;
	[tilespmem:$0x10080] =	vst v63  }
0x41: {  	_ = 	snop  }
0x42: {  	[tilespmem:s11], [sflag:$0x1] =	stream.indirect_vreg.gather [hbm4b:s3+s2], $0x80, v3, vm0, $0xb8;
	[tilespmem:$0x10080] =	vst v63  }
0x43: {  	_ = 	snop  }
0x44: {  	[tilespmem:s12], [sflag:$0x1] =	stream.indirect_vreg.gather [hbm4b:s4+s2], $0x80, v3, vm0, $0xb8;
	[tilespmem:$0x10080] =	vst v63  }
0x45: {  	_ = 	snop  }
0x46: {  	[tilespmem:s13], [sflag:$0x1] =	stream.indirect_vreg.gather [hbm4b:s5+s2], $0x80, v3, vm0, $0xb8;
	[tilespmem:$0x10080] =	vst v63  }
0x47: {  	_ = 	snop  }
0x48: {  	[tilespmem:s14], [sflag:$0x1] =	stream.indirect_vreg.gather [hbm4b:s6+s2], $0x80, v3, vm0, $0xb8;
	[tilespmem:$0x10080] =	vst v63  }
0x49: {  	v3 =	vld [tilespmem:$0x20];
	_ =	sdelay $0x4  }
0x4a: {  	v62 =	vshll.u32 v3, $0x3  }
0x4b: {  	v3 =	vand.u32 $0x7, v3;
	v4 =	vand.u32 $0xFFFFFFC0, v62  }
0x4c: {  	v3 =	vor.u32 v3, v4  }
0x4d: {  	v4 =	vperm.xlane v3, v0;
	_ =	sdelay $0x1  }
0x4e: {  	v4 =	vadd.s32 v1, v4;
	_ =	sdelay $0x4  }
0x4f: {  	[tilespmem:s15], [sflag:$0x1] =	stream.indirect_vreg.gather [hbm4b:s3+s2], $0x80, v4, vm0, $0xb8;
	[tilespmem:$0x10080] =	vst v63  }
0x50: {  	v3 =	vperm.xlane v3, v2  }
0x51: {  	[tilespmem:s16], [sflag:$0x1] =	stream.indirect_vreg.gather [hbm4b:s4+s2], $0x80, v4, vm0, $0xb8;
	[tilespmem:$0x10080] =	vst v63  }
0x52: {  	v3 =	vadd.s32 v1, v3  }
0x53: {  	[tilespmem:s17], [sflag:$0x1] =	stream.indirect_vreg.gather [hbm4b:s5+s2], $0x80, v4, vm0, $0xb8;
	[tilespmem:$0x10080] =	vst v63  }
0x54: {  	_ = 	snop  }
0x55: {  	[tilespmem:s18], [sflag:$0x1] =	stream.indirect_vreg.gather [hbm4b:s6+s2], $0x80, v4, vm0, $0xb8;
	[tilespmem:$0x10080] =	vst v63  }
0x56: {  	_ = 	snop  }
0x57: {  	[tilespmem:s19], [sflag:$0x1] =	stream.indirect_vreg.gather [hbm4b:s3+s2], $0x80, v3, vm0, $0xb8;
	[tilespmem:$0x10080] =	vst v63  }
0x58: {  	_ = 	snop  }
0x59: {  	[tilespmem:s20], [sflag:$0x1] =	stream.indirect_vreg.gather [hbm4b:s4+s2], $0x80, v3, vm0, $0xb8;
	[tilespmem:$0x10080] =	vst v63  }
0x5a: {  	_ = 	snop  }
0x5b: {  	[tilespmem:s21], [sflag:$0x1] =	stream.indirect_vreg.gather [hbm4b:s5+s2], $0x80, v3, vm0, $0xb8;
	[tilespmem:$0x10080] =	vst v63  }
0x5c: {  	_ = 	snop  }
0x5d: {  	[tilespmem:s22], [sflag:$0x1] =	stream.indirect_vreg.gather [hbm4b:s6+s2], $0x80, v3, vm0, $0xb8;
	[tilespmem:$0x10080] =	vst v63  }
0x5e: {  	v3 =	vld [tilespmem:$0x30];
	_ =	sdelay $0x4  }
0x5f: {  	v63 =	vshll.u32 v3, $0x3  }
0x60: {  	v3 =	vand.u32 $0x7, v3;
	v4 =	vand.u32 $0xFFFFFFC0, v63  }
0x61: {  	v3 =	vor.u32 v3, v4  }
0x62: {  	v4 =	vperm.xlane v3, v0;
	_ =	sdelay $0x1  }
0x63: {  	v4 =	vadd.s32 v1, v4;
	_ =	sdelay $0x4  }
0x64: {  	[tilespmem:s23], [sflag:$0x1] =	stream.indirect_vreg.gather [hbm4b:s3+s2], $0x80, v4, vm0, $0xb8;
	[tilespmem:$0x10080] =	vst v63  }
0x65: {  	v3 =	vperm.xlane v3, v2  }
0x66: {  	[tilespmem:s24], [sflag:$0x1] =	stream.indirect_vreg.gather [hbm4b:s4+s2], $0x80, v4, vm0, $0xb8;
	[tilespmem:$0x10080] =	vst v63  }
0x67: {  	v3 =	vadd.s32 v1, v3  }
0x68: {  	[tilespmem:s25], [sflag:$0x1] =	stream.indirect_vreg.gather [hbm4b:s5+s2], $0x80, v4, vm0, $0xb8;
	[tilespmem:$0x10080] =	vst v63  }
0x69: {  	_ = 	snop  }
0x6a: {  	[tilespmem:s26], [sflag:$0x1] =	stream.indirect_vreg.gather [hbm4b:s6+s2], $0x80, v4, vm0, $0xb8;
	[tilespmem:$0x10080] =	vst v63  }
0x6b: {  	_ = 	snop  }
0x6c: {  	[tilespmem:s28], [sflag:$0x1] =	stream.indirect_vreg.gather [hbm4b:s3+s2], $0x80, v3, vm0, $0xb8;
	[tilespmem:$0x10080] =	vst v63  }
0x6d: {  	_ = 	snop  }
0x6e: {  	[tilespmem:s29], [sflag:$0x1] =	stream.indirect_vreg.gather [hbm4b:s4+s2], $0x80, v3, vm0, $0xb8;
	[tilespmem:$0x10080] =	vst v63  }
0x6f: {  	_ = 	snop  }
0x70: {  	[tilespmem:s30], [sflag:$0x1] =	stream.indirect_vreg.gather [hbm4b:s5+s2], $0x80, v3, vm0, $0xb8;
	[tilespmem:$0x10080] =	vst v63  }
0x71: {  	_ = 	snop  }
0x72: {  	[tilespmem:s31], [sflag:$0x1] =	stream.indirect_vreg.gather [hbm4b:s6+s2], $0x80, v3, vm0, $0xb8;
	[tilespmem:$0x10080] =	vst v63  }
0x73: {  	_ =	swait.ge [sflag:s1], $0x10000  }
0x74: {  	p0 =	sne.s32 s7, $0x1;
	[sflag:s1] =	ssyncset.done $0x0  }
.Ltmp0:
0x75: {  	s10 =	rddreg [dreg:$0x4];
	[sflag:s1] =	ssyncadd.s32 $0xFFFF0000;
	(pc) =	sbr.rel @p0 .LBB2_1-.Ltmp0, $4  }
0x76: {  	[hbm4b:s10+s2] =	stream.linear.scatter [tilespmem:s9], [sflag:$0x2], $0x10000, $0x38;
	[tilespmem:$0x10080] =	vst v63  }
0x77: {  	_ =	swait.ge [sflag:s8], $0x10000  }
0x78: {  	[sflag:s8] =	ssyncset.done $0x0  }
0x79: {  	s7 =	sadd.s32 $0xFFFFFFFF, s7;
	[sflag:s8] =	ssyncadd.s32 $0xFFFF0000  }
0x7a: {  	_ =	sfence.sel $0x180000  }
0x7b: {  	[bflag:$0x0] =	sbarrier.arrive $0xFFFF  }
0x7c: {  	_ =	strace $0x9000004A  }
0x7d: {  	s0 =	stileid.u32;
	[bflag:$0x2] =	sbarrier.arrive $0xFFFF  }
0x7e: {  	p0 =	sne.s32 s0, $0x0;
	s0 =	rddreg [dreg:$0x2]  }
0x7f: {  	s0 =	sadd.s32 @!p0 $0x100000, s0  }
0x80: {  	[sflag:s0] =	ssyncadd.tile.s32 @!p0 $0x1;
	_ =	shalt  }
.Lfunc_end2:
_tile_overlayer_lowered:
.L_overlay_start_2:
0x81: {  	(tag) =	ssettag $0x2  }
0x82: {  	s0 =	rddreg [dreg:$0x0];
	s2 =	stileid.u32  }
0x83: {  	s1 =	rddreg [dreg:$0x1];
	p0 =	sne.s32 s2, $0x0  }
0x84: {  	s3 =	rddreg [dreg:$0x2];
	[bflag:$0x3] =	sbarrier.arrive $0xFFFF;
	s2 =	simm.s32 @!p0 $0x1C02  }
0x85: {  	[timem:s3], [sflag:s2] =	dma.local @!p0 [hbm:s0], s1  }
0x86: {  	s0 =	simm.s32 @!p0 $0x2  }
0x87: {  	_ =	swait.ge @!p0 [sflag:s0], s1  }
0x88: {  	s1 =	ssub.s32 @!p0 $0x0, s1;
	[sflag:s0] =	ssyncset.done @!p0 $0x0  }
0x89: {  	[sflag:s0] =	ssyncadd.s32 @!p0 s1  }
0x8a: {  	[bflag:$0x3] =	sbarrier.arrive $0xFFFF  }
0x8b: {  	_ =	shalt  }

// kernel: kernel.7.cloned.1.call-start
scs
__scs_entry_jumppad:
0x0: {  	(pc) =	sbr.rel $0x88, $3  }
0x1: {  	(tag) =	ssettag $0x0;
	lr =	simm.s32 $0x1  }
0x2: {  	[smem:$0x3F8D] =	sst lr;
	_ =	strace $0xD0000000  }
0x3: {  	_ = 	snop  }
0x4: {  	_ = 	snop  }
0x5: {  	_ = 	snop  }
0x6: {  	_ = 	snop  }
0x7: {  	_ = 	snop  }
__scs_overlays_trampoline_lowered:
0x8: {  	[smem:$0x3F9C] =	sst s0  }
0x9: {  	[smem:$0x3F9D] =	sst s1  }
0xa: {  	[smem:$0x3F9E] =	sst s2  }
0xb: {  	[smem:$0x3F9F] =	sst s3  }
0xc: {  	[smem:$0x3FA0] =	sst s4  }
0xd: {  	[smem:$0x3FA1] =	sst s5  }
0xe: {  	[smem:$0x3FA2] =	sst s6  }
0xf: {  	[smem:$0x3FA3] =	sst s7  }
0x10: {  	[smem:$0x3FA4] =	sst s8  }
0x11: {  	[smem:$0x3FA5] =	sst s9;
	s0 =	simm.s32 @!p0 $0x0  }
0x12: {  	s1 =	sld [smem:$0x3F8B];
	s0 =	simm.s32 @p0 $0x1  }
0x13: {  	[smem:$0x3FA6] =	sst s0;
	s0 =	simm.s32 @!p1 $0x0  }
0x14: {  	s2 =	sld [smem:$0x3F8A];
	s0 =	simm.s32 @p1 $0x1  }
0x15: {  	[smem:$0x3FA7] =	sst s0;
	s0 =	simm.s32 @!p2 $0x0  }
0x16: {  	s3 =	sld [smem:$0x3FDB];
	s0 =	simm.s32 @p2 $0x1  }
0x17: {  	s4 =	simm.s32 $0x1BF5;
	[smem:$0x3FA9] =	sst s0  }
0x18: {  	s0 =	sld [smem:$0x3F8C];
	_ =	swait.ge [sflag:s4], $0x0  }
0x19: {  	s7 =	sld [smem:$0x3F8D]  }
0x1a: {  	s8 =	sadd.s32 $0xFFFFE003, lr  }
0x1b: {  	s9 =	sadd.s32 $0xFFFFFEF7, lr;
	s5 =	simm.s32 $0xFFFFFFFF;
	p2 =	slt.u32 s8, $0xFFFFF086  }
0x1c: {  	p1 =	slt.u32 s9, $0xF7A;
	s5 =	simm.s32 @!p2 $0x0  }
0x1d: {  	s5 =	simm.s32 @p1 $0x1;
	p0 =	seq.s32 s7, s2  }
0x1e: {  	s7 =	smul.u32 @!p0 $0xF7A, s2;
	p2 =	seq.s32 @!p0 s5, $0x0  }
0x1f: {  	s9 =	smul.u32 $0xF7A, s1;
	s8 =	simm.s32 @!p0 $0x1BF5;
	p2 =	por !p2, p0  }
0x20: {  	[sflag:s8] =	ssyncset.s32 @!p0 $0xFFFFF086;
	s6 =	sadd.s32 @!p0 s3, s7;
	s7 =	simm.s32 @!p0 $0x108  }
0x21: {  	s3 =	sadd.s32 s3, s9;
	s6 =	sadd.s32 @!p0 $0x88, s6;
	s7 =	simm.s32 @p2 $0x1082  }
0x22: {  	[simem:s7], [sflag:s8] =	dma.local @!p0 [hbm:s6], $0xF7A  }
0x23: {  	s9 =	sor.u32 $0xD0000000, s2;
	s6 =	simm.s32 $0x108;
	_ =	swait.ge @!p0 [sflag:s8], $0x0  }
0x24: {  	s3 =	sadd.s32 $0x88, s3;
	s6 =	simm.s32 @!p1 $0x1082;
	[sflag:s4] =	ssyncset.s32 $0xFFFFF086  }
0x25: {  	[simem:s6], [sflag:s4] =	dma.local [hbm:s3], $0xF7A  }
0x26: {  	[smem:$0x3F8D] =	sst s1;
	(tag) =	ssettag s2;
	_ =	strace s9  }
0x27: {  	s1 =	sld [smem:$0x3F9D]  }
0x28: {  	s2 =	sld [smem:$0x3F9E]  }
0x29: {  	s4 =	sld [smem:$0x3FA0]  }
0x2a: {  	p0 =	seq.s32 s5, $0x0;
	s5 =	sld [smem:$0x3FA1]  }
0x2b: {  	s6 =	sld [smem:$0x3FA2]  }
0x2c: {  	s7 =	sld [smem:$0x3FA3]  }
0x2d: {  	s3 =	simm.s32 $0x108;
	s8 =	sld [smem:$0x3FA4]  }
0x2e: {  	s3 =	simm.s32 @!p0 $0x1082;
	s9 =	sld [smem:$0x3FA5]  }
0x2f: {  	lr =	sadd.s32 s0, s3;
	s0 =	sld [smem:$0x3F9C]  }
0x30: {  	s3 =	sld [smem:$0x3F9F]  }
0x31: {  	[smem:$0x3FA8] =	sst s10  }
0x32: {  	s10 =	sld [smem:$0x3FA6];
	_ =	sdelay $0x3  }
0x33: {  	p0 =	seq.s32 s10, $0x1;
	s10 =	sld [smem:$0x3FA8];
	_ =	sdelay $0x3  }
0x34: {  	[smem:$0x3FA8] =	sst s10  }
0x35: {  	s10 =	sld [smem:$0x3FA7];
	_ =	sdelay $0x3  }
0x36: {  	p1 =	seq.s32 s10, $0x1;
	s10 =	sld [smem:$0x3FA8];
	_ =	sdelay $0x3  }
0x37: {  	[smem:$0x3FA8] =	sst s10  }
0x38: {  	s10 =	sld [smem:$0x3FA9]  }
0x39: {  	_ = 	snop;
	(pc) =	sbr.ind lr, $3  }
0x3a: {  	_ = 	snop  }
0x3b: {  	_ = 	snop  }
0x3c: {  	p2 =	seq.s32 s10, $0x1;
	s10 =	sld [smem:$0x3FA8]  }
0x3d: {  	_ =	shalt  }
0x3e: {  	_ =	shalt  }
0x3f: {  	_ =	shalt  }
0x40: {  	_ =	shalt  }
0x41: {  	_ =	shalt  }
0x42: {  	_ =	shalt  }
0x43: {  	_ =	shalt  }
0x44: {  	_ =	shalt  }
0x45: {  	_ =	shalt  }
0x46: {  	_ =	shalt  }
0x47: {  	_ =	shalt  }
0x48: {  	_ =	shalt  }
0x49: {  	_ =	shalt  }
0x4a: {  	_ =	shalt  }
0x4b: {  	_ =	shalt  }
0x4c: {  	_ =	shalt  }
0x4d: {  	_ =	shalt  }
0x4e: {  	_ =	shalt  }
0x4f: {  	_ =	shalt  }
0x50: {  	_ =	shalt  }
0x51: {  	_ =	shalt  }
0x52: {  	_ =	shalt  }
0x53: {  	_ =	shalt  }
0x54: {  	_ =	shalt  }
0x55: {  	_ =	shalt  }
0x56: {  	_ =	shalt  }
0x57: {  	_ =	shalt  }
0x58: {  	_ =	shalt  }
0x59: {  	_ =	shalt  }
0x5a: {  	_ =	shalt  }
0x5b: {  	_ =	shalt  }
0x5c: {  	_ =	shalt  }
0x5d: {  	_ =	shalt  }
0x5e: {  	_ =	shalt  }
0x5f: {  	_ =	shalt  }
0x60: {  	_ =	shalt  }
0x61: {  	_ =	shalt  }
0x62: {  	_ =	shalt  }
0x63: {  	_ =	shalt  }
0x64: {  	_ =	shalt  }
0x65: {  	_ =	shalt  }
0x66: {  	_ =	shalt  }
0x67: {  	_ =	shalt  }
0x68: {  	_ =	shalt  }
0x69: {  	_ =	shalt  }
0x6a: {  	_ =	shalt  }
0x6b: {  	_ =	shalt  }
0x6c: {  	_ =	shalt  }
0x6d: {  	_ =	shalt  }
0x6e: {  	_ =	shalt  }
0x6f: {  	_ =	shalt  }
0x70: {  	_ =	shalt  }
0x71: {  	_ =	shalt  }
0x72: {  	_ =	shalt  }
0x73: {  	_ =	shalt  }
0x74: {  	_ =	shalt  }
0x75: {  	_ =	shalt  }
0x76: {  	_ =	shalt  }
0x77: {  	_ =	shalt  }
0x78: {  	_ =	shalt  }
0x79: {  	_ =	shalt  }
0x7a: {  	_ =	shalt  }
0x7b: {  	_ =	shalt  }
0x7c: {  	_ =	shalt  }
0x7d: {  	_ =	shalt  }
0x7e: {  	_ =	shalt  }
0x7f: {  	_ =	shalt  }
0x80: {  	_ =	shalt  }
0x81: {  	_ =	shalt  }
0x82: {  	_ =	shalt  }
0x83: {  	_ =	shalt  }
0x84: {  	_ =	shalt  }
0x85: {  	_ =	shalt  }
0x86: {  	_ =	shalt  }
0x87: {  	_ =	shalt  }
.Lfunc_end0:
.L_simem_size_0:
called_computation_lowered:
.L_overlay_start_0:
0x88: {  	s2 =	sld [smem:$0x3FD9]  }
0x89: {  	s3 =	sld [smem:$0x3FFE];
	_ =	sdelay $0x1  }
0x8a: {  	s1 =	srdreg.scid  }
0x8b: {  	s0 =	sand.u32 $0x1, s1  }
0x8c: {  	s14 =	sshll.u32 s0, $0xA;
	s2 =	sadd.s32 s3, s2  }
0x8d: {  	s2 =	sadd.s32 s2, s14  }
0x8e: {  	[smem:$0x3FB4] =	sst s2  }
0x8f: {  	_ = 	snop  }
0x90: {  	s2 =	sld [smem:$0x3FD0];
	_ =	sdelay $0x2  }
0x91: {  	s15 =	simm.s32 $0xA;
	s4 =	simm.s32 $0x10  }
0x92: {  	[smem:s4], [sflag:s15] =	dma.local [hbm:s2], $0x1  }
0x93: {  	_ =	swait.eq [sflag:s15], $0x1  }
0x94: {  	[sflag:s15] =	ssyncset.done $0x0  }
0x95: {  	[sflag:s15] =	ssyncadd.s32 $0xFFFFFFFF  }
0x96: {  	s16 =	sld [smem:$0x10];
	(tm) =	ssettm $0x1  }
0x97: {  	s17 =	sld [smem:$0x3FFB];
	_ =	sdelay $0x3  }
0x98: {  	_ =	strace s17  }
0x99: {  	s3 =	sld [smem:$0x3FFC];
	_ =	sdelay $0x3  }
0x9a: {  	_ =	strace s3  }
0x9b: {  	s3 =	sld [smem:$0x3FFD];
	_ =	sdelay $0x3  }
0x9c: {  	_ =	strace s3  }
0x9d: {  	_ =	strace $0x8FFFFFFF  }
0x9e: {  	s18 =	sld [smem:$0x3FDB];
	_ =	sdelay $0x1  }
0x9f: {  	s19 =	simm.s32 $_scs_section_size  }
0xa0: {  	s5 =	simm.s32 $_size__tile_overlayer_lowered;
	s6 =	simm.s32 $_tile_overlayer_lowered  }
0xa1: {  	s22 =	simm.s32 $0x1BFF;
	s21 =	sshll.u32 s6, $0x1;
	s3 =	sadd.s32 s19, s18  }
0xa2: {  	s7 =	simm.s32 $0x0;
	s20 =	sshll.u32 s5, $0x1;
	s5 =	sadd.s32 s21, s3  }
0xa3: {  	[timem:s7], [sflag:s22] =	dma.local [hbm:s5], s20  }
0xa4: {  	_ =	swait.ge [sflag:s22], s20  }
0xa5: {  	s4 =	ssub.s32 $0x0, s20;
	[sflag:s22] =	ssyncset.done $0x0  }
0xa6: {  	[sflag:s22] =	ssyncadd.s32 s4;
	_ =	sdelay $0x1  }
0xa7: {  	s23 =	simm.s32 $0x1B8B  }
0xa8: {  	_ =	swait.ge [sflag:s23], $0x1  }
0xa9: {  	[sflag:s23] =	ssyncset.done $0x0  }
0xaa: {  	s25 =	simm.s32 $0x1B8E;
	s24 =	sld [smem:$0x3FFE];
	[sflag:s23] =	ssyncadd.s32 $0xFFFFFFFF  }
0xab: {  	s26 =	simm.s32 $execute0_lowered;
	[smem:$0x3FD2] =	sst s25  }
0xac: {  	s5 =	sshll.u32 s26, $0x1;
	_ =	strace $0x80000046;
	[dreg:$0x1] =	wrdreg $0xFFFFFFFF  }
0xad: {  	s28 =	simm.s32 $_size_execute0_lowered;
	s3 =	sadd.s32 s3, s5;
	[dreg:$0x0] =	wrdreg $0x0  }
0xae: {  	s5 =	sshll.u32 s28, $0x1;
	[dreg:$0x2] =	wrdreg s3  }
0xaf: {  	[dreg:$0x3] =	wrdreg s5  }
0xb0: {  	[dreg:$0x4] =	wrdreg $0xC0  }
0xb1: {  	_ =	task [dreg:s7], $0x5FFFF  }
0xb2: {  	[dreg:$0x1] =	wrdreg $0xFFFFFFFF  }
0xb3: {  	[dreg:$0x0] =	wrdreg $0x60  }
0xb4: {  	[dreg:$0x2] =	wrdreg s24  }
0xb5: {  	[dreg:$0x3] =	wrdreg s16  }
0xb6: {  	[dreg:$0x4] =	wrdreg $0x9  }
0xb7: {  	_ =	task.clear_ibuf [dreg:s7], $0x5FFFF;
	_ =	strace $0x90000046  }
0xb8: {  	s29 =	simm.s32 $0x9;
	_ =	strace $0x80000048  }
0xb9: {  	_ =	swait.ge [sflag:s29], $0x1  }
0xba: {  	[sflag:s29] =	ssyncadd.s32 $0xFFFFFFFF  }
0xbb: {  	_ =	strace $0x90000048  }
0xbc: {  	_ =	sfence  }
0xbd: {  	s30 =	sld [smem:$0x0];
	_ =	sdelay $0x2  }
0xbe: {  	s31 =	sshll.u32 s1, $0xD;
	s1 =	sshrl.u32 s1, $0x2  }
0xbf: {  	s3 =	sand.u32 $0x4000, s31;
	s1 =	sadd.s32 s1, s30  }
0xc0: {  	s0 =	sor.u32 s3, s0;
	s1 =	sshll.u32 s1, $0x11  }
0xc1: {  	s0 =	sor.u32 s1, s0  }
0xc2: {  	s0 =	sadd.s32 $0x8F2B, s0  }
0xc3: {  	[sflag:s0] =	ssyncadd.remote.s32 $0x1  }
0xc4: {  	_ =	sfence.sel $0xFFFF  }
0xc5: {  	[dreg:$0x0] =	wrdreg $0xFFFFFFFF;
	(pc) =	sbr.abs _section_cstart, $3  }
0xc6: {  	[dreg:$0x1] =	wrdreg $0xFFFFFFFF  }
0xc7: {  	_ =	task.clear_ibuf [dreg:s7], $0x2FFFF;
	_ =	strace $0x9FFFFFFF  }
0xc8: {  	(tm) =	ssettm $0x7FFFFFFF  }
0xc9: {  	_ =	shalt  }
tec
execute0_lowered:
.L_overlay_start_1:
0x0: {  	(tag) =	ssettag $0x1  }
0x1: {  	s1 =	srdreg.scid  }
0x2: {  	s6 =	rddreg [dreg:$0x0];
	s0 =	stileid.u32  }
0x3: {  	s3 =	rddreg [dreg:$0x1];
	s2 =	simm.s32 $0x0;
	s18 =	simm.s32 $0x880  }
0x4: {  	s19 =	simm.s32 $0x1080;
	s20 =	simm.s32 $0x1880;
	s22 =	simm.s32 $0x2080  }
0x5: {  	s23 =	simm.s32 $0x2880;
	s7 =	simm.s32 $0x3080;
	s24 =	simm.s32 $0x3880  }
0x6: {  	s8 =	simm.s32 $0x4080;
	s25 =	simm.s32 $0x4880;
	[smem:$0x7FF] =	sst s2  }
0x7: {  	s26 =	simm.s32 $0x5080;
	_ =	strace $0x80000047;
	[dreg:$0x5] =	wrdreg s18  }
0x8: {  	s9 =	simm.s32 $0x80;
	s11 =	simm.s32 $0x6080;
	[dreg:$0x6] =	wrdreg s19  }
0x9: {  	s12 =	simm.s32 $0x6880;
	s13 =	simm.s32 $0x7080;
	[dreg:$0x7] =	wrdreg s20  }
0xa: {  	s14 =	simm.s32 $0x7880;
	s15 =	simm.s32 $0x8080;
	[dreg:$0x8] =	wrdreg s22  }
0xb: {  	s16 =	simm.s32 $0x8880;
	s28 =	simm.s32 $0xE080;
	[dreg:$0x9] =	wrdreg s23  }
0xc: {  	s29 =	simm.s32 $0xE880;
	s30 =	simm.s32 $0xF080;
	[dreg:$0xa] =	wrdreg s7  }
0xd: {  	s31 =	simm.s32 $0xF880;
	s1 =	sand.u32 $0x1, s1;
	[dreg:$0xb] =	wrdreg s24  }
0xe: {  	s4 =	sshll.u32 s0, $0x7;
	s5 =	sshll.u32 s1, $0x6;
	[dreg:$0xc] =	wrdreg s8  }
0xf: {  	s1 =	ssub.s32 $0x2, s1;
	s8 =	simm.s32 $0x2;
	[dreg:$0xd] =	wrdreg s25  }
0x10: {  	[dreg:$0xe] =	wrdreg s26;
	s18 =	simm.s32 $0x9880;
	s19 =	simm.s32 $0xA080  }
0x11: {  	s20 =	simm.s32 $0xA880;
	s22 =	simm.s32 $0xB880;
	s23 =	simm.s32 $0xC080  }
0x12: {  	s24 =	simm.s32 $0xC880;
	s25 =	simm.s32 $0xD080;
	s4 =	sor.u32 s5, s4  }
0x13: {  	s26 =	simm.s32 $0xD880;
	s21 =	sshrl.u32 s1, $0x1;
	s5 =	sshll.u32 s4, $0x7  }
0x14: {  	s4 =	sshrl.u32 s4, $0x3;
	s1 =	ssub.s32 s1, s21;
	s21 =	simm.s32 $0xB080  }
0x15: {  	s5 =	sadd.s32 s5, s6;
	s3 =	sadd.s32 s3, s4;
	s4 =	sadd.s32 $0x43B00, s6  }
0x16: {  	v2 =	vlaneseq.u32;
	s7 =	smax.u32 s1, $0x1;
	s1 =	simm.s32 $0x1;
	[dreg:$0x3] =	wrdreg s3  }
0x17: {  	vm0 =	vmmov $0xffff;
	v1 =	vshrl.u32 v2, $0x3;
	s17 =	sadd.s32 $0x3A00, s5;
	s3 =	sadd.s32 $0x43A00, s6;
	s5 =	sadd.s32 $0x43C00, s6  }
0x18: {  	v0 =	vand.u32 $0x7, v2;
	v2 =	vor.u32 $0x8, v2;
	v1 =	vmul.u32 $0x8, v1;
	s6 =	sadd.s32 $0x43D00, s6;
	[dreg:$0x4] =	wrdreg s17;
	s17 =	simm.s32 $0x9080  }
.LBB2_1:
0x19: {  	s0 =	rddreg [dreg:$0x3]  }
0x1a: {  	[tilespmem:s2], [sflag:$0x2] =	stream.linear.gather [hbm4b:s0+s2], $0x40, $0x38;
	[tilespmem:$0x10080] =	vst v63  }
0x1b: {  	_ =	swait.ge [sflag:s8], $0x40  }
0x1c: {  	[sflag:s8] =	ssyncset.done $0x0  }
0x1d: {  	s10 =	rddreg [dreg:$0x4];
	[sflag:s8] =	ssyncadd.s32 $0xFFFFFFC0  }
0x1e: {  	[tilespmem:s9], [sflag:$0x2] =	stream.linear.gather [hbm4b:s10+s2], $0x10000, $0x38;
	[tilespmem:$0x10080] =	vst v63  }
0x1f: {  	_ =	swait.ge [sflag:s8], $0x10000  }
0x20: {  	[sflag:s8] =	ssyncset.done $0x0  }
0x21: {  	[sflag:s8] =	ssyncadd.s32 $0xFFFF0000  }
0x22: {  	v3 =	vld [tilespmem:$0x0];
	_ =	sdelay $0x4  }
0x23: {  	v4 =	vshll.u32 v3, $0x3  }
0x24: {  	v3 =	vand.u32 $0x7, v3;
	v4 =	vand.u32 $0xFFFFFFC0, v4  }
0x25: {  	v3 =	vor.u32 v3, v4  }
0x26: {  	v4 =	vperm.xlane v3, v0;
	_ =	sdelay $0x1  }
0x27: {  	v4 =	vadd.s32 v1, v4;
	_ =	sdelay $0x4  }
0x28: {  	[hbm4b:s3+s2] =	stream.indirect_vreg.scatter [tilespmem:s9], [sflag:$0x1], $0x80, v4, vm0, $0xb8;
	[tilespmem:$0x10080] =	vst v63  }
0x29: {  	s0 =	rddreg [dreg:$0x5];
	v3 =	vperm.xlane v3, v2  }
0x2a: {  	[hbm4b:s4+s2] =	stream.indirect_vreg.scatter [tilespmem:s0], [sflag:$0x1], $0x80, v4, vm0, $0xb8;
	[tilespmem:$0x10080] =	vst v63  }
0x2b: {  	s10 =	rddreg [dreg:$0x6];
	v3 =	vadd.s32 v1, v3  }
0x2c: {  	[hbm4b:s5+s2] =	stream.indirect_vreg.scatter [tilespmem:s10], [sflag:$0x1], $0x80, v4, vm0, $0xb8;
	[tilespmem:$0x10080] =	vst v63  }
0x2d: {  	s0 =	rddreg [dreg:$0x7]  }
0x2e: {  	[hbm4b:s6+s2] =	stream.indirect_vreg.scatter [tilespmem:s0], [sflag:$0x1], $0x80, v4, vm0, $0xb8;
	[tilespmem:$0x10080] =	vst v63  }
0x2f: {  	s10 =	rddreg [dreg:$0x8]  }
0x30: {  	[hbm4b:s3+s2] =	stream.indirect_vreg.scatter [tilespmem:s10], [sflag:$0x1], $0x80, v3, vm0, $0xb8;
	[tilespmem:$0x10080] =	vst v63  }
0x31: {  	s0 =	rddreg [dreg:$0x9]  }
0x32: {  	[hbm4b:s4+s2] =	stream.indirect_vreg.scatter [tilespmem:s0], [sflag:$0x1], $0x80, v3, vm0, $0xb8;
	[tilespmem:$0x10080] =	vst v63  }
0x33: {  	s10 =	rddreg [dreg:$0xa]  }
0x34: {  	[hbm4b:s5+s2] =	stream.indirect_vreg.scatter [tilespmem:s10], [sflag:$0x1], $0x80, v3, vm0, $0xb8;
	[tilespmem:$0x10080] =	vst v63  }
0x35: {  	s0 =	rddreg [dreg:$0xb]  }
0x36: {  	[hbm4b:s6+s2] =	stream.indirect_vreg.scatter [tilespmem:s0], [sflag:$0x1], $0x80, v3, vm0, $0xb8;
	[tilespmem:$0x10080] =	vst v63  }
0x37: {  	v3 =	vld [tilespmem:$0x10];
	_ =	sdelay $0x4  }
0x38: {  	v61 =	vshll.u32 v3, $0x3  }
0x39: {  	v3 =	vand.u32 $0x7, v3;
	v4 =	vand.u32 $0xFFFFFFC0, v61  }
0x3a: {  	v3 =	vor.u32 v3, v4  }
0x3b: {  	v4 =	vperm.xlane v3, v0;
	_ =	sdelay $0x1  }
0x3c: {  	v4 =	vadd.s32 v1, v4;
	_ =	sdelay $0x3  }
0x3d: {  	s0 =	rddreg [dreg:$0xc]  }
0x3e: {  	[hbm4b:s3+s2] =	stream.indirect_vreg.scatter [tilespmem:s0], [sflag:$0x1], $0x80, v4, vm0, $0xb8;
	[tilespmem:$0x10080] =	vst v63  }
0x3f: {  	s10 =	rddreg [dreg:$0xd];
	v3 =	vperm.xlane v3, v2  }
0x40: {  	[hbm4b:s4+s2] =	stream.indirect_vreg.scatter [tilespmem:s10], [sflag:$0x1], $0x80, v4, vm0, $0xb8;
	[tilespmem:$0x10080] =	vst v63  }
0x41: {  	v3 =	vadd.s32 v1, v3;
	s0 =	rddreg [dreg:$0xe]  }
0x42: {  	[hbm4b:s5+s2] =	stream.indirect_vreg.scatter [tilespmem:s0], [sflag:$0x1], $0x80, v4, vm0, $0xb8;
	[tilespmem:$0x10080] =	vst v63  }
0x43: {  	s10 =	simm.s32 $0x5880  }
0x44: {  	[hbm4b:s6+s2] =	stream.indirect_vreg.scatter [tilespmem:s10], [sflag:$0x1], $0x80, v4, vm0, $0xb8;
	[tilespmem:$0x10080] =	vst v63  }
0x45: {  	_ = 	snop  }
0x46: {  	[hbm4b:s3+s2] =	stream.indirect_vreg.scatter [tilespmem:s11], [sflag:$0x1], $0x80, v3, vm0, $0xb8;
	[tilespmem:$0x10080] =	vst v63  }
0x47: {  	_ = 	snop  }
0x48: {  	[hbm4b:s4+s2] =	stream.indirect_vreg.scatter [tilespmem:s12], [sflag:$0x1], $0x80, v3, vm0, $0xb8;
	[tilespmem:$0x10080] =	vst v63  }
0x49: {  	_ = 	snop  }
0x4a: {  	[hbm4b:s5+s2] =	stream.indirect_vreg.scatter [tilespmem:s13], [sflag:$0x1], $0x80, v3, vm0, $0xb8;
	[tilespmem:$0x10080] =	vst v63  }
0x4b: {  	_ = 	snop  }
0x4c: {  	[hbm4b:s6+s2] =	stream.indirect_vreg.scatter [tilespmem:s14], [sflag:$0x1], $0x80, v3, vm0, $0xb8;
	[tilespmem:$0x10080] =	vst v63  }
0x4d: {  	v3 =	vld [tilespmem:$0x20];
	_ =	sdelay $0x4  }
0x4e: {  	v62 =	vshll.u32 v3, $0x3  }
0x4f: {  	v3 =	vand.u32 $0x7, v3;
	v4 =	vand.u32 $0xFFFFFFC0, v62  }
0x50: {  	v3 =	vor.u32 v3, v4  }
0x51: {  	v4 =	vperm.xlane v3, v0;
	_ =	sdelay $0x1  }
0x52: {  	v4 =	vadd.s32 v1, v4;
	_ =	sdelay $0x4  }
0x53: {  	[hbm4b:s3+s2] =	stream.indirect_vreg.scatter [tilespmem:s15], [sflag:$0x1], $0x80, v4, vm0, $0xb8;
	[tilespmem:$0x10080] =	vst v63  }
0x54: {  	v3 =	vperm.xlane v3, v2  }
0x55: {  	[hbm4b:s4+s2] =	stream.indirect_vreg.scatter [tilespmem:s16], [sflag:$0x1], $0x80, v4, vm0, $0xb8;
	[tilespmem:$0x10080] =	vst v63  }
0x56: {  	v3 =	vadd.s32 v1, v3  }
0x57: {  	[hbm4b:s5+s2] =	stream.indirect_vreg.scatter [tilespmem:s17], [sflag:$0x1], $0x80, v4, vm0, $0xb8;
	[tilespmem:$0x10080] =	vst v63  }
0x58: {  	_ = 	snop  }
0x59: {  	[hbm4b:s6+s2] =	stream.indirect_vreg.scatter [tilespmem:s18], [sflag:$0x1], $0x80, v4, vm0, $0xb8;
	[tilespmem:$0x10080] =	vst v63  }
0x5a: {  	_ = 	snop  }
0x5b: {  	[hbm4b:s3+s2] =	stream.indirect_vreg.scatter [tilespmem:s19], [sflag:$0x1], $0x80, v3, vm0, $0xb8;
	[tilespmem:$0x10080] =	vst v63  }
0x5c: {  	_ = 	snop  }
0x5d: {  	[hbm4b:s4+s2] =	stream.indirect_vreg.scatter [tilespmem:s20], [sflag:$0x1], $0x80, v3, vm0, $0xb8;
	[tilespmem:$0x10080] =	vst v63  }
0x5e: {  	_ = 	snop  }
0x5f: {  	[hbm4b:s5+s2] =	stream.indirect_vreg.scatter [tilespmem:s21], [sflag:$0x1], $0x80, v3, vm0, $0xb8;
	[tilespmem:$0x10080] =	vst v63  }
0x60: {  	_ = 	snop  }
0x61: {  	[hbm4b:s6+s2] =	stream.indirect_vreg.scatter [tilespmem:s22], [sflag:$0x1], $0x80, v3, vm0, $0xb8;
	[tilespmem:$0x10080] =	vst v63  }
0x62: {  	v3 =	vld [tilespmem:$0x30];
	_ =	sdelay $0x4  }
0x63: {  	v63 =	vshll.u32 v3, $0x3  }
0x64: {  	v3 =	vand.u32 $0x7, v3;
	v4 =	vand.u32 $0xFFFFFFC0, v63  }
0x65: {  	v3 =	vor.u32 v3, v4  }
0x66: {  	v4 =	vperm.xlane v3, v0;
	_ =	sdelay $0x1  }
0x67: {  	v4 =	vadd.s32 v1, v4;
	_ =	sdelay $0x4  }
0x68: {  	[hbm4b:s3+s2] =	stream.indirect_vreg.scatter [tilespmem:s23], [sflag:$0x1], $0x80, v4, vm0, $0xb8;
	[tilespmem:$0x10080] =	vst v63  }
0x69: {  	v3 =	vperm.xlane v3, v2  }
0x6a: {  	[hbm4b:s4+s2] =	stream.indirect_vreg.scatter [tilespmem:s24], [sflag:$0x1], $0x80, v4, vm0, $0xb8;
	[tilespmem:$0x10080] =	vst v63  }
0x6b: {  	v3 =	vadd.s32 v1, v3  }
0x6c: {  	[hbm4b:s5+s2] =	stream.indirect_vreg.scatter [tilespmem:s25], [sflag:$0x1], $0x80, v4, vm0, $0xb8;
	[tilespmem:$0x10080] =	vst v63  }
0x6d: {  	_ = 	snop  }
0x6e: {  	[hbm4b:s6+s2] =	stream.indirect_vreg.scatter [tilespmem:s26], [sflag:$0x1], $0x80, v4, vm0, $0xb8;
	[tilespmem:$0x10080] =	vst v63  }
0x6f: {  	_ = 	snop  }
0x70: {  	[hbm4b:s3+s2] =	stream.indirect_vreg.scatter [tilespmem:s28], [sflag:$0x1], $0x80, v3, vm0, $0xb8;
	[tilespmem:$0x10080] =	vst v63  }
0x71: {  	_ = 	snop  }
0x72: {  	[hbm4b:s4+s2] =	stream.indirect_vreg.scatter [tilespmem:s29], [sflag:$0x1], $0x80, v3, vm0, $0xb8;
	[tilespmem:$0x10080] =	vst v63  }
0x73: {  	p0 =	sne.s32 s7, $0x1  }
0x74: {  	[hbm4b:s5+s2] =	stream.indirect_vreg.scatter [tilespmem:s30], [sflag:$0x1], $0x80, v3, vm0, $0xb8;
	[tilespmem:$0x10080] =	vst v63  }
.Ltmp0:
0x75: {  	_ = 	snop;
	(pc) =	sbr.rel @p0 .LBB2_1-.Ltmp0, $4  }
0x76: {  	[hbm4b:s6+s2] =	stream.indirect_vreg.scatter [tilespmem:s31], [sflag:$0x1], $0x80, v3, vm0, $0xb8;
	[tilespmem:$0x10080] =	vst v63  }
0x77: {  	_ =	swait.ge [sflag:s1], $0x10000  }
0x78: {  	[sflag:s1] =	ssyncset.done $0x0  }
0x79: {  	s7 =	sadd.s32 $0xFFFFFFFF, s7;
	[sflag:s1] =	ssyncadd.s32 $0xFFFF0000  }
0x7a: {  	_ =	sfence.sel $0x180000  }
0x7b: {  	[bflag:$0x0] =	sbarrier.arrive $0xFFFF  }
0x7c: {  	_ =	strace $0x90000047  }
0x7d: {  	s0 =	stileid.u32;
	[bflag:$0x2] =	sbarrier.arrive $0xFFFF  }
0x7e: {  	p0 =	sne.s32 s0, $0x0;
	s0 =	rddreg [dreg:$0x2]  }
0x7f: {  	s0 =	sadd.s32 @!p0 $0x100000, s0  }
0x80: {  	[sflag:s0] =	ssyncadd.tile.s32 @!p0 $0x1;
	_ =	shalt  }
.Lfunc_end2:
_tile_overlayer_lowered:
.L_overlay_start_2:
0x81: {  	(tag) =	ssettag $0x2  }
0x82: {  	s0 =	rddreg [dreg:$0x0];
	s2 =	stileid.u32  }
0x83: {  	s1 =	rddreg [dreg:$0x1];
	p0 =	sne.s32 s2, $0x0  }
0x84: {  	s3 =	rddreg [dreg:$0x2];
	[bflag:$0x3] =	sbarrier.arrive $0xFFFF;
	s2 =	simm.s32 @!p0 $0x1C02  }
0x85: {  	[timem:s3], [sflag:s2] =	dma.local @!p0 [hbm:s0], s1  }
0x86: {  	s0 =	simm.s32 @!p0 $0x2  }
0x87: {  	_ =	swait.ge @!p0 [sflag:s0], s1  }
0x88: {  	s1 =	ssub.s32 @!p0 $0x0, s1;
	[sflag:s0] =	ssyncset.done @!p0 $0x0  }
0x89: {  	[sflag:s0] =	ssyncadd.s32 @!p0 s1  }
0x8a: {  	[bflag:$0x3] =	sbarrier.arrive $0xFFFF  }
0x8b: {  	_ =	shalt  }

</sc_bundles>
